<compile_context>
chip_gen: v7x
topology: tpu7x:2x2x1
jax: 0.10.2.dev20260603
libtpu: 0.0.44.dev20260713+nightly
codegen_flags: <defaults>
</compile_context>

<pallas_src>
import functools

import jax
import jax.numpy as jnp
from jax import lax
from jax.experimental import pallas as pl
from jax.experimental.pallas import tpu as pltpu
from jax.experimental.pallas import tpu_sc as plsc

_LANES = 16


def _tec_kernel(n_pts, n_workers, chunk, n_cells,
                x_hbm, cid_hbm, coord_hbm, conn0_hbm, conn1_hbm, out_hbm,
                coord_v, conn0_v, conn1_v, x1t_v, invt_v,
                xb0, xb1, cb0, cb1, ob0, ob1,
                sx0, sx1, sc0, sc1, so0, so1, st0):
    per_worker = n_pts // n_workers
    n_chunks = per_worker // chunk
    wid = lax.axis_index("s") * 2 + lax.axis_index("c")
    base = wid * per_worker

    xb = (xb0, xb1)
    cb = (cb0, cb1)
    ob = (ob0, ob1)
    sx = (sx0, sx1)
    sc = (sc0, sc1)
    so = (so0, so1)

    def start_in(bi, off):
        pltpu.async_copy(x_hbm.at[pl.ds(off, chunk)], xb[bi], sx[bi])
        pltpu.async_copy(cid_hbm.at[pl.ds(off, chunk)], cb[bi], sc[bi])

    def wait_in(bi):
        pltpu.make_async_copy(x_hbm.at[pl.ds(0, chunk)], xb[bi], sx[bi]).wait()
        pltpu.make_async_copy(cid_hbm.at[pl.ds(0, chunk)], cb[bi],
                              sc[bi]).wait()

    def start_out(bi, off):
        pltpu.async_copy(ob[bi], out_hbm.at[pl.ds(2 * off, 2 * chunk)],
                         so[bi])

    def wait_out(bi):
        pltpu.make_async_copy(ob[bi], out_hbm.at[pl.ds(0, 2 * chunk)],
                              so[bi]).wait()

    def compute(bi):
        x_v, cid_v, out_v = xb[bi], cb[bi], ob[bi]

        @plsc.parallel_loop(0, chunk // 128, unroll=4)
        def blk(bk):
            for s in range(128 // _LANES):
                o = bk * 128 + s * _LANES
                cid = cid_v[pl.ds(o, _LANES)]
                x1 = plsc.load_gather(x1t_v, [cid])
                inv = plsc.load_gather(invt_v, [cid])
                xv = x_v[pl.ds(o, _LANES)]
                na = (xv - x1) * inv
                p = bk * 256 + s * _LANES
                out_v[pl.ds(p, _LANES)] = na
                out_v[pl.ds(p + 128, _LANES)] = 1.0 - na

    ht0 = pltpu.async_copy(coord_hbm, coord_v, so0)
    ht1 = pltpu.async_copy(conn0_hbm, conn0_v, so1)
    ht2 = pltpu.async_copy(conn1_hbm, conn1_v, st0)

    start_in(0, base)
    start_in(1, base + chunk)

    ht0.wait()
    ht1.wait()
    ht2.wait()
    for t in range(n_cells // _LANES):
        ds = pl.ds(t * _LANES, _LANES)
        n0 = conn0_v[ds]
        n1 = conn1_v[ds]
        x0 = plsc.load_gather(coord_v, [n0])
        x1 = plsc.load_gather(coord_v, [n1])
        x1t_v[ds] = x1
        invt_v[ds] = 1.0 / (x0 - x1)

    n2 = n_chunks // 2

    def pair_body(g, _):
        for b in range(2):
            off = base + (2 * g + b) * chunk
            wait_in(b)

            @pl.when(g > 0)
            def _drain():
                wait_out(b)

            compute(b)
            start_out(b, off)

            @pl.when(g < n2 - 1)
            def _prefetch():
                start_in(b, off + 2 * chunk)

        return _

    lax.fori_loop(0, n2, pair_body, None)
    wait_out(0)
    wait_out(1)


def kernel(x, cell_id, coordinates, connectivity):
    n_pts = x.shape[0]
    n_nodes = coordinates.shape[0]
    n_cells = connectivity.shape[0]
    n_workers = 32
    chunk = 8192
    n_sc = n_pts

    coord_flat = coordinates[:, 0]
    conn0 = connectivity[:, 0]
    conn1 = connectivity[:, 1]

    mesh = plsc.VectorSubcoreMesh(core_axis_name="c", subcore_axis_name="s")
    body = functools.partial(_tec_kernel, n_sc, n_workers, chunk, n_cells)
    out_flat = pl.kernel(
        body,
        mesh=mesh,
        out_type=jax.ShapeDtypeStruct((2 * n_pts,), jnp.float32),
        compiler_params=pltpu.CompilerParams(needs_layout_passes=False),
        scratch_types=[
            pltpu.VMEM((n_nodes,), jnp.float32),
            pltpu.VMEM((n_cells,), jnp.int32),
            pltpu.VMEM((n_cells,), jnp.int32),
            pltpu.VMEM((n_cells,), jnp.float32),
            pltpu.VMEM((n_cells,), jnp.float32),
            pltpu.VMEM((chunk,), jnp.float32),
            pltpu.VMEM((chunk,), jnp.float32),
            pltpu.VMEM((chunk,), jnp.int32),
            pltpu.VMEM((chunk,), jnp.int32),
            pltpu.VMEM((2 * chunk,), jnp.float32),
            pltpu.VMEM((2 * chunk,), jnp.float32),
            pltpu.SemaphoreType.DMA,
            pltpu.SemaphoreType.DMA,
            pltpu.SemaphoreType.DMA,
            pltpu.SemaphoreType.DMA,
            pltpu.SemaphoreType.DMA,
            pltpu.SemaphoreType.DMA,
            pltpu.SemaphoreType.DMA,
        ],
    )(x, cell_id, coord_flat, conn0, conn1)

    return out_flat.reshape(n_pts // 128, 2, 128).transpose(0, 2, 1).reshape(
        n_pts, 2)

# --- scband reference (transcript-rebuilt; emitter-appended) ---
"""Pipeline reference for scband-my-sf1-d-element-based-vectorised-6262062318224 (READ-ONLY COPY).

The authoritative reference and input builder live on the scoring server;
editing this copy changes nothing except your own understanding.
"""

import jax, jax.numpy as jnp
import numpy as np

N_CELLS = 64
N_NODES = 65
N_PTS = 2097152


def setup_inputs(seed: int = 0) -> dict:
    key = jax.random.key(seed)
    k1, k2 = jax.random.split(key)
    x = jax.random.uniform(k1, (N_PTS,), dtype=jnp.float32)
    cell_id = jax.random.randint(k2, (N_PTS,), 0, N_CELLS, dtype=jnp.int32)
    coordinates = jnp.arange(N_NODES, dtype=jnp.float32).reshape(N_NODES, 1)
    base = jnp.arange(N_CELLS, dtype=jnp.int32)
    connectivity = jnp.stack([base, base + 1], axis=1)
    return {"x": x, "cell_id": cell_id, "coordinates": coordinates, "connectivity": connectivity}


def _get_ref_coord(x, nodes_coord):
    # nodes_coord: [P, 2, 1]
    x0 = nodes_coord[:, 0, 0]
    x1 = nodes_coord[:, 1, 0]
    detJ = x0 - x1
    ones = jnp.ones_like(x0)
    row0 = jnp.stack([ones, -x1], axis=1)
    row1 = jnp.stack([-ones, x0], axis=1)
    inv_map = jnp.stack([row0, row1], axis=1) / detJ[:, None, None]  # [P, 2, 2]
    x_ext = jnp.stack([x, jnp.ones_like(x)], axis=1)  # [P, 2]
    return jnp.einsum('eij,ej->ei', inv_map, x_ext)  # [P, 2]


def reference(x, cell_id, coordinates, connectivity):
    # connectivity[cell_id, :] -> per-point node ids, then gather node coords
    cell_nodes = jnp.take(connectivity, cell_id, axis=0)  # [P, 2]
    nodes_coord = jnp.take(coordinates[:, 0], cell_nodes, axis=0)[:, :, None]  # [P, 2, 1]
    ref = _get_ref_coord(x, nodes_coord)
    N = jnp.stack([ref[:, 0], ref[:, 1]], axis=1)  # [P, 2]
    return N

if __name__ == "__main__":
    import jax
    _d = setup_inputs()
    print(jax.jit(kernel)(*tuple(_d.values())))

</pallas_src>

<mosaic_0001>
#map = affine_map<(d0, d1) -> (0)>
module attributes {stable_mosaic.version = 14 : i64} {
  func.func @_tec_kernel(%arg0: i32, %arg1: i32, %arg2: memref<2097152xf32, #tpu.memory_space<hbm>>, %arg3: memref<2097152xi32, #tpu.memory_space<hbm>>, %arg4: memref<65xf32, #tpu.memory_space<hbm>>, %arg5: memref<64xi32, #tpu.memory_space<hbm>>, %arg6: memref<64xi32, #tpu.memory_space<hbm>>, %arg7: memref<4194304xf32, #tpu.memory_space<hbm>>, %arg8: memref<65xf32, #tpu.memory_space<vmem>>, %arg9: memref<64xi32, #tpu.memory_space<vmem>>, %arg10: memref<64xi32, #tpu.memory_space<vmem>>, %arg11: memref<64xf32, #tpu.memory_space<vmem>>, %arg12: memref<64xf32, #tpu.memory_space<vmem>>, %arg13: memref<8192xf32, #tpu.memory_space<vmem>>, %arg14: memref<8192xf32, #tpu.memory_space<vmem>>, %arg15: memref<8192xi32, #tpu.memory_space<vmem>>, %arg16: memref<8192xi32, #tpu.memory_space<vmem>>, %arg17: memref<16384xf32, #tpu.memory_space<vmem>>, %arg18: memref<16384xf32, #tpu.memory_space<vmem>>, %arg19: memref<!tpu.dma_semaphore, #tpu.memory_space<semaphore_mem>>, %arg20: memref<!tpu.dma_semaphore, #tpu.memory_space<semaphore_mem>>, %arg21: memref<!tpu.dma_semaphore, #tpu.memory_space<semaphore_mem>>, %arg22: memref<!tpu.dma_semaphore, #tpu.memory_space<semaphore_mem>>, %arg23: memref<!tpu.dma_semaphore, #tpu.memory_space<semaphore_mem>>, %arg24: memref<!tpu.dma_semaphore, #tpu.memory_space<semaphore_mem>>, %arg25: memref<!tpu.dma_semaphore, #tpu.memory_space<semaphore_mem>>) attributes {dimension_semantics = [#tpu.dimension_semantics<core_parallel>, #tpu.dimension_semantics<subcore_parallel>], iteration_bounds = array<i64: 2, 16>, scalar_prefetch = 0 : i64, scratch_operands = 18 : i64, tpu.core_type = #tpu.core_type<sc_vector_subcore>, window_params = [{transform_indices = #map}, {transform_indices = #map}, {transform_indices = #map}, {transform_indices = #map}, {transform_indices = #map}, {transform_indices = #map}]} {
    %mul3A = arith.constant 2 : i32
    %mul3A_0 = arith.muli %arg1, %mul3A : i32
    %add3A = arith.addi %mul3A_0, %arg0 : i32
    %mul3A_1 = arith.constant 65536 : i32
    %mul3A_2 = arith.muli %add3A, %mul3A_1 : i32
    tpu.enqueue_dma source(%arg4 : memref<65xf32, #tpu.memory_space<hbm>>) target(%arg8 : memref<65xf32, #tpu.memory_space<vmem>>) target_semaphore(%arg23 : memref<!tpu.dma_semaphore, #tpu.memory_space<semaphore_mem>>)
    tpu.enqueue_dma source(%arg5 : memref<64xi32, #tpu.memory_space<hbm>>) target(%arg9 : memref<64xi32, #tpu.memory_space<vmem>>) target_semaphore(%arg24 : memref<!tpu.dma_semaphore, #tpu.memory_space<semaphore_mem>>)
    tpu.enqueue_dma source(%arg6 : memref<64xi32, #tpu.memory_space<hbm>>) target(%arg10 : memref<64xi32, #tpu.memory_space<vmem>>) target_semaphore(%arg25 : memref<!tpu.dma_semaphore, #tpu.memory_space<semaphore_mem>>)
    %dma_start3A = tpu.memref_slice %arg2[%mul3A_2] : memref<2097152xf32, #tpu.memory_space<hbm>> -> memref<8192xf32, #tpu.memory_space<hbm>>
    %dma_start3A_3 = tpu.memref_slice %arg2[%mul3A_2] : memref<2097152xf32, #tpu.memory_space<hbm>> -> memref<8192xf32, #tpu.memory_space<hbm>>
    tpu.enqueue_dma source(%dma_start3A_3 : memref<8192xf32, #tpu.memory_space<hbm>>) target(%arg13 : memref<8192xf32, #tpu.memory_space<vmem>>) target_semaphore(%arg19 : memref<!tpu.dma_semaphore, #tpu.memory_space<semaphore_mem>>)
    %dma_start3A_4 = tpu.memref_slice %arg3[%mul3A_2] : memref<2097152xi32, #tpu.memory_space<hbm>> -> memref<8192xi32, #tpu.memory_space<hbm>>
    %dma_start3A_5 = tpu.memref_slice %arg3[%mul3A_2] : memref<2097152xi32, #tpu.memory_space<hbm>> -> memref<8192xi32, #tpu.memory_space<hbm>>
    tpu.enqueue_dma source(%dma_start3A_5 : memref<8192xi32, #tpu.memory_space<hbm>>) target(%arg15 : memref<8192xi32, #tpu.memory_space<vmem>>) target_semaphore(%arg21 : memref<!tpu.dma_semaphore, #tpu.memory_space<semaphore_mem>>)
    %add3A_6 = arith.constant 8192 : i32
    %add3A_7 = arith.addi %mul3A_2, %add3A_6 : i32
    %dma_start3A_8 = tpu.memref_slice %arg2[%add3A_7] : memref<2097152xf32, #tpu.memory_space<hbm>> -> memref<8192xf32, #tpu.memory_space<hbm>>
    %dma_start3A_9 = tpu.memref_slice %arg2[%add3A_7] : memref<2097152xf32, #tpu.memory_space<hbm>> -> memref<8192xf32, #tpu.memory_space<hbm>>
    tpu.enqueue_dma source(%dma_start3A_9 : memref<8192xf32, #tpu.memory_space<hbm>>) target(%arg14 : memref<8192xf32, #tpu.memory_space<vmem>>) target_semaphore(%arg20 : memref<!tpu.dma_semaphore, #tpu.memory_space<semaphore_mem>>)
    %dma_start3A_10 = tpu.memref_slice %arg3[%add3A_7] : memref<2097152xi32, #tpu.memory_space<hbm>> -> memref<8192xi32, #tpu.memory_space<hbm>>
    %dma_start3A_11 = tpu.memref_slice %arg3[%add3A_7] : memref<2097152xi32, #tpu.memory_space<hbm>> -> memref<8192xi32, #tpu.memory_space<hbm>>
    tpu.enqueue_dma source(%dma_start3A_11 : memref<8192xi32, #tpu.memory_space<hbm>>) target(%arg16 : memref<8192xi32, #tpu.memory_space<vmem>>) target_semaphore(%arg22 : memref<!tpu.dma_semaphore, #tpu.memory_space<semaphore_mem>>)
    tpu.wait_dma2 semaphore(%arg23 : memref<!tpu.dma_semaphore, #tpu.memory_space<semaphore_mem>>) src(%arg4 : memref<65xf32, #tpu.memory_space<hbm>>) dst(%arg8 : memref<65xf32, #tpu.memory_space<vmem>>)
    tpu.wait_dma2 semaphore(%arg24 : memref<!tpu.dma_semaphore, #tpu.memory_space<semaphore_mem>>) src(%arg5 : memref<64xi32, #tpu.memory_space<hbm>>) dst(%arg9 : memref<64xi32, #tpu.memory_space<vmem>>)
    tpu.wait_dma2 semaphore(%arg25 : memref<!tpu.dma_semaphore, #tpu.memory_space<semaphore_mem>>) src(%arg6 : memref<64xi32, #tpu.memory_space<hbm>>) dst(%arg10 : memref<64xi32, #tpu.memory_space<vmem>>)
    %get3A = arith.constant 0 : index
    %get3A_12 = tpu.vector_load %arg9[%get3A] {strides = array<i32>} : memref<64xi32, #tpu.memory_space<vmem>>, vector<16xi32>,
    %get3A_13 = arith.constant 0 : index
    %get3A_14 = tpu.vector_load %arg10[%get3A_13] {strides = array<i32>} : memref<64xi32, #tpu.memory_space<vmem>>, vector<16xi32>,
    %gather3A = tpu.vector_load_idx %arg8[%get3A_12] : memref<65xf32, #tpu.memory_space<vmem>>[vector<16xi32>], vector<16xf32>,
    %gather3A_15 = tpu.vector_load_idx %arg8[%get3A_14] : memref<65xf32, #tpu.memory_space<vmem>>[vector<16xi32>], vector<16xf32>,
    %swap3A = arith.constant 0 : index
    %swap3A_16 = tpu.vector_load %arg11[%swap3A] {strides = array<i32>} : memref<64xf32, #tpu.memory_space<vmem>>, vector<16xf32>,
    tpu.vector_store %arg11[%swap3A], %gather3A_15 {strides = array<i32>} : memref<64xf32, #tpu.memory_space<vmem>>, vector<16xf32>,
    %sub3A = arith.subf %gather3A, %gather3A_15 : vector<16xf32>
    %div3A = arith.constant 1.000000e+00 : f32
    %div3A_17 = vector.broadcast %div3A : f32 to vector<16xf32>
    %div3A_18 = arith.divf %div3A_17, %sub3A : vector<16xf32>
    %swap3A_19 = arith.constant 0 : index
    %swap3A_20 = tpu.vector_load %arg12[%swap3A_19] {strides = array<i32>} : memref<64xf32, #tpu.memory_space<vmem>>, vector<16xf32>,
    tpu.vector_store %arg12[%swap3A_19], %div3A_18 {strides = array<i32>} : memref<64xf32, #tpu.memory_space<vmem>>, vector<16xf32>,
    %get3A_21 = arith.constant 16 : index
    %get3A_22 = tpu.vector_load %arg9[%get3A_21] {strides = array<i32>} : memref<64xi32, #tpu.memory_space<vmem>>, vector<16xi32>,
    %get3A_23 = arith.constant 16 : index
    %get3A_24 = tpu.vector_load %arg10[%get3A_23] {strides = array<i32>} : memref<64xi32, #tpu.memory_space<vmem>>, vector<16xi32>,
    %gather3A_25 = tpu.vector_load_idx %arg8[%get3A_22] : memref<65xf32, #tpu.memory_space<vmem>>[vector<16xi32>], vector<16xf32>,
    %gather3A_26 = tpu.vector_load_idx %arg8[%get3A_24] : memref<65xf32, #tpu.memory_space<vmem>>[vector<16xi32>], vector<16xf32>,
    %swap3A_27 = arith.constant 16 : index
    %swap3A_28 = tpu.vector_load %arg11[%swap3A_27] {strides = array<i32>} : memref<64xf32, #tpu.memory_space<vmem>>, vector<16xf32>,
    tpu.vector_store %arg11[%swap3A_27], %gather3A_26 {strides = array<i32>} : memref<64xf32, #tpu.memory_space<vmem>>, vector<16xf32>,
    %sub3A_29 = arith.subf %gather3A_25, %gather3A_26 : vector<16xf32>
    %div3A_30 = arith.constant 1.000000e+00 : f32
    %div3A_31 = vector.broadcast %div3A_30 : f32 to vector<16xf32>
    %div3A_32 = arith.divf %div3A_31, %sub3A_29 : vector<16xf32>
    %swap3A_33 = arith.constant 16 : index
    %swap3A_34 = tpu.vector_load %arg12[%swap3A_33] {strides = array<i32>} : memref<64xf32, #tpu.memory_space<vmem>>, vector<16xf32>,
    tpu.vector_store %arg12[%swap3A_33], %div3A_32 {strides = array<i32>} : memref<64xf32, #tpu.memory_space<vmem>>, vector<16xf32>,
    %get3A_35 = arith.constant 32 : index
    %get3A_36 = tpu.vector_load %arg9[%get3A_35] {strides = array<i32>} : memref<64xi32, #tpu.memory_space<vmem>>, vector<16xi32>,
    %get3A_37 = arith.constant 32 : index
    %get3A_38 = tpu.vector_load %arg10[%get3A_37] {strides = array<i32>} : memref<64xi32, #tpu.memory_space<vmem>>, vector<16xi32>,
    %gather3A_39 = tpu.vector_load_idx %arg8[%get3A_36] : memref<65xf32, #tpu.memory_space<vmem>>[vector<16xi32>], vector<16xf32>,
    %gather3A_40 = tpu.vector_load_idx %arg8[%get3A_38] : memref<65xf32, #tpu.memory_space<vmem>>[vector<16xi32>], vector<16xf32>,
    %swap3A_41 = arith.constant 32 : index
    %swap3A_42 = tpu.vector_load %arg11[%swap3A_41] {strides = array<i32>} : memref<64xf32, #tpu.memory_space<vmem>>, vector<16xf32>,
    tpu.vector_store %arg11[%swap3A_41], %gather3A_40 {strides = array<i32>} : memref<64xf32, #tpu.memory_space<vmem>>, vector<16xf32>,
    %sub3A_43 = arith.subf %gather3A_39, %gather3A_40 : vector<16xf32>
    %div3A_44 = arith.constant 1.000000e+00 : f32
    %div3A_45 = vector.broadcast %div3A_44 : f32 to vector<16xf32>
    %div3A_46 = arith.divf %div3A_45, %sub3A_43 : vector<16xf32>
    %swap3A_47 = arith.constant 32 : index
    %swap3A_48 = tpu.vector_load %arg12[%swap3A_47] {strides = array<i32>} : memref<64xf32, #tpu.memory_space<vmem>>, vector<16xf32>,
    tpu.vector_store %arg12[%swap3A_47], %div3A_46 {strides = array<i32>} : memref<64xf32, #tpu.memory_space<vmem>>, vector<16xf32>,
    %get3A_49 = arith.constant 48 : index
    %get3A_50 = tpu.vector_load %arg9[%get3A_49] {strides = array<i32>} : memref<64xi32, #tpu.memory_space<vmem>>, vector<16xi32>,
    %get3A_51 = arith.constant 48 : index
    %get3A_52 = tpu.vector_load %arg10[%get3A_51] {strides = array<i32>} : memref<64xi32, #tpu.memory_space<vmem>>, vector<16xi32>,
    %gather3A_53 = tpu.vector_load_idx %arg8[%get3A_50] : memref<65xf32, #tpu.memory_space<vmem>>[vector<16xi32>], vector<16xf32>,
    %gather3A_54 = tpu.vector_load_idx %arg8[%get3A_52] : memref<65xf32, #tpu.memory_space<vmem>>[vector<16xi32>], vector<16xf32>,
    %swap3A_55 = arith.constant 48 : index
    %swap3A_56 = tpu.vector_load %arg11[%swap3A_55] {strides = array<i32>} : memref<64xf32, #tpu.memory_space<vmem>>, vector<16xf32>,
    tpu.vector_store %arg11[%swap3A_55], %gather3A_54 {strides = array<i32>} : memref<64xf32, #tpu.memory_space<vmem>>, vector<16xf32>,
    %sub3A_57 = arith.subf %gather3A_53, %gather3A_54 : vector<16xf32>
    %div3A_58 = arith.constant 1.000000e+00 : f32
    %div3A_59 = vector.broadcast %div3A_58 : f32 to vector<16xf32>
    %div3A_60 = arith.divf %div3A_59, %sub3A_57 : vector<16xf32>
    %swap3A_61 = arith.constant 48 : index
    %swap3A_62 = tpu.vector_load %arg12[%swap3A_61] {strides = array<i32>} : memref<64xf32, #tpu.memory_space<vmem>>, vector<16xf32>,
    tpu.vector_store %arg12[%swap3A_61], %div3A_60 {strides = array<i32>} : memref<64xf32, #tpu.memory_space<vmem>>, vector<16xf32>,
    %scan3A = arith.constant 0 : i32
    %scan3A_63 = arith.constant 4 : i32
    %scan3A_64 = arith.addi %scan3A, %scan3A_63 : i32
    %scan3A_65 = arith.constant 1 : i32
    scf.for %scan3A_74 = %scan3A to %scan3A_64 step %scan3A_65  : i32 {
      %mul3A_75 = arith.constant 2 : i32
      %mul3A_76 = arith.muli %mul3A_75, %scan3A_74 : i32
      %add3A_77 = arith.constant 0 : i32
      %add3A_78 = arith.addi %mul3A_76, %add3A_77 : i32
      %mul3A_79 = arith.constant 8192 : i32
      %mul3A_80 = arith.muli %add3A_78, %mul3A_79 : i32
      %add3A_81 = arith.addi %mul3A_2, %mul3A_80 : i32
      %dma_wait3A_82 = arith.constant 0 : i32
      %dma_wait3A_83 = tpu.memref_slice %arg2[%dma_wait3A_82] : memref<2097152xf32, #tpu.memory_space<hbm>> -> memref<8192xf32, #tpu.memory_space<hbm>>
      %dma_wait3A_84 = arith.constant 0 : i32
      %dma_wait3A_85 = tpu.memref_slice %arg2[%dma_wait3A_84] : memref<2097152xf32, #tpu.memory_space<hbm>> -> memref<8192xf32, #tpu.memory_space<hbm>>
      tpu.wait_dma2 semaphore(%arg19 : memref<!tpu.dma_semaphore, #tpu.memory_space<semaphore_mem>>) src(%dma_wait3A_85 : memref<8192xf32, #tpu.memory_space<hbm>>) dst(%arg13 : memref<8192xf32, #tpu.memory_space<vmem>>)
      %dma_wait3A_86 = arith.constant 0 : i32
      %dma_wait3A_87 = tpu.memref_slice %arg3[%dma_wait3A_86] : memref<2097152xi32, #tpu.memory_space<hbm>> -> memref<8192xi32, #tpu.memory_space<hbm>>
      %dma_wait3A_88 = arith.constant 0 : i32
      %dma_wait3A_89 = tpu.memref_slice %arg3[%dma_wait3A_88] : memref<2097152xi32, #tpu.memory_space<hbm>> -> memref<8192xi32, #tpu.memory_space<hbm>>
      tpu.wait_dma2 semaphore(%arg21 : memref<!tpu.dma_semaphore, #tpu.memory_space<semaphore_mem>>) src(%dma_wait3A_89 : memref<8192xi32, #tpu.memory_space<hbm>>) dst(%arg15 : memref<8192xi32, #tpu.memory_space<vmem>>)
      %gt3A = arith.constant 0 : i32
      %gt3A_90 = arith.cmpi sgt, %scan3A_74, %gt3A : i32
      %convert_element_type3A = arith.extui %gt3A_90 : i1 to i32
      %cond3A = arith.constant 0 : i32
      %cond3A_91 = arith.cmpi ne, %convert_element_type3A, %cond3A : i32
      scf.if %cond3A_91 {
        %dma_wait3A_134 = arith.constant 0 : i32
        %dma_wait3A_135 = tpu.memref_slice %arg7[%dma_wait3A_134] : memref<4194304xf32, #tpu.memory_space<hbm>> -> memref<16384xf32, #tpu.memory_space<hbm>>
        %dma_wait3A_136 = arith.constant 0 : i32
        %dma_wait3A_137 = tpu.memref_slice %arg7[%dma_wait3A_136] : memref<4194304xf32, #tpu.memory_space<hbm>> -> memref<16384xf32, #tpu.memory_space<hbm>>
        tpu.wait_dma2 semaphore(%arg23 : memref<!tpu.dma_semaphore, #tpu.memory_space<semaphore_mem>>) src(%arg17 : memref<16384xf32, #tpu.memory_space<vmem>>) dst(%dma_wait3A_137 : memref<16384xf32, #tpu.memory_space<hbm>>)
      } else {
      }
      %parallel_loop3A = arith.constant 0 : i32
      %parallel_loop3A_92 = arith.constant 64 : i32
      %parallel_loop3A_93 = arith.constant 1 : i32
      scf.for %parallel_loop3A_134 = %parallel_loop3A to %parallel_loop3A_92 step %parallel_loop3A_93  : i32 {
        %parallel_loop3A_135 = arith.constant 128 : i32
        %parallel_loop3A_136 = arith.muli %parallel_loop3A_134, %parallel_loop3A_135 : i32
        %parallel_loop3A_137 = arith.constant 0 : i32
        %parallel_loop3A_138 = arith.addi %parallel_loop3A_136, %parallel_loop3A_137 : i32
        %parallel_loop3A_139 = arith.index_cast %parallel_loop3A_138 : i32 to index
        %parallel_loop3A_140 = tpu.vector_load %arg15[%parallel_loop3A_139] {strides = array<i32>} : memref<8192xi32, #tpu.memory_space<vmem>>, vector<16xi32>,
        %parallel_loop3A_141 = tpu.vector_load_idx %arg11[%parallel_loop3A_140] : memref<64xf32, #tpu.memory_space<vmem>>[vector<16xi32>], vector<16xf32>,
        %parallel_loop3A_142 = tpu.vector_load_idx %arg12[%parallel_loop3A_140] : memref<64xf32, #tpu.memory_space<vmem>>[vector<16xi32>], vector<16xf32>,
        %parallel_loop3A_143 = arith.index_cast %parallel_loop3A_138 : i32 to index
        %parallel_loop3A_144 = tpu.vector_load %arg13[%parallel_loop3A_143] {strides = array<i32>} : memref<8192xf32, #tpu.memory_space<vmem>>, vector<16xf32>,
        %parallel_loop3A_145 = arith.subf %parallel_loop3A_144, %parallel_loop3A_141 : vector<16xf32>
        %parallel_loop3A_146 = arith.mulf %parallel_loop3A_145, %parallel_loop3A_142 : vector<16xf32>
        %parallel_loop3A_147 = arith.constant 256 : i32
        %parallel_loop3A_148 = arith.muli %parallel_loop3A_134, %parallel_loop3A_147 : i32
        %parallel_loop3A_149 = arith.constant 0 : i32
        %parallel_loop3A_150 = arith.addi %parallel_loop3A_148, %parallel_loop3A_149 : i32
        %parallel_loop3A_151 = arith.index_cast %parallel_loop3A_150 : i32 to index
        %parallel_loop3A_152 = tpu.vector_load %arg17[%parallel_loop3A_151] {strides = array<i32>} : memref<16384xf32, #tpu.memory_space<vmem>>, vector<16xf32>,
        tpu.vector_store %arg17[%parallel_loop3A_151], %parallel_loop3A_146 {strides = array<i32>} : memref<16384xf32, #tpu.memory_space<vmem>>, vector<16xf32>,
        %parallel_loop3A_153 = arith.constant 1.000000e+00 : f32
        %parallel_loop3A_154 = vector.broadcast %parallel_loop3A_153 : f32 to vector<16xf32>
        %parallel_loop3A_155 = arith.subf %parallel_loop3A_154, %parallel_loop3A_146 : vector<16xf32>
        %parallel_loop3A_156 = arith.constant 128 : i32
        %parallel_loop3A_157 = arith.addi %parallel_loop3A_150, %parallel_loop3A_156 : i32
        %parallel_loop3A_158 = arith.index_cast %parallel_loop3A_157 : i32 to index
        %parallel_loop3A_159 = tpu.vector_load %arg17[%parallel_loop3A_158] {strides = array<i32>} : memref<16384xf32, #tpu.memory_space<vmem>>, vector<16xf32>,
        tpu.vector_store %arg17[%parallel_loop3A_158], %parallel_loop3A_155 {strides = array<i32>} : memref<16384xf32, #tpu.memory_space<vmem>>, vector<16xf32>,
        %parallel_loop3A_160 = arith.constant 128 : i32
        %parallel_loop3A_161 = arith.muli %parallel_loop3A_134, %parallel_loop3A_160 : i32
        %parallel_loop3A_162 = arith.constant 16 : i32
        %parallel_loop3A_163 = arith.addi %parallel_loop3A_161, %parallel_loop3A_162 : i32
        %parallel_loop3A_164 = arith.index_cast %parallel_loop3A_163 : i32 to index
        %parallel_loop3A_165 = tpu.vector_load %arg15[%parallel_loop3A_164] {strides = array<i32>} : memref<8192xi32, #tpu.memory_space<vmem>>, vector<16xi32>,
        %parallel_loop3A_166 = tpu.vector_load_idx %arg11[%parallel_loop3A_165] : memref<64xf32, #tpu.memory_space<vmem>>[vector<16xi32>], vector<16xf32>,
        %parallel_loop3A_167 = tpu.vector_load_idx %arg12[%parallel_loop3A_165] : memref<64xf32, #tpu.memory_space<vmem>>[vector<16xi32>], vector<16xf32>,
        %parallel_loop3A_168 = arith.index_cast %parallel_loop3A_163 : i32 to index
        %parallel_loop3A_169 = tpu.vector_load %arg13[%parallel_loop3A_168] {strides = array<i32>} : memref<8192xf32, #tpu.memory_space<vmem>>, vector<16xf32>,
        %parallel_loop3A_170 = arith.subf %parallel_loop3A_169, %parallel_loop3A_166 : vector<16xf32>
        %parallel_loop3A_171 = arith.mulf %parallel_loop3A_170, %parallel_loop3A_167 : vector<16xf32>
        %parallel_loop3A_172 = arith.constant 256 : i32
        %parallel_loop3A_173 = arith.muli %parallel_loop3A_134, %parallel_loop3A_172 : i32
        %parallel_loop3A_174 = arith.constant 16 : i32
        %parallel_loop3A_175 = arith.addi %parallel_loop3A_173, %parallel_loop3A_174 : i32
        %parallel_loop3A_176 = arith.index_cast %parallel_loop3A_175 : i32 to index
        %parallel_loop3A_177 = tpu.vector_load %arg17[%parallel_loop3A_176] {strides = array<i32>} : memref<16384xf32, #tpu.memory_space<vmem>>, vector<16xf32>,
        tpu.vector_store %arg17[%parallel_loop3A_176], %parallel_loop3A_171 {strides = array<i32>} : memref<16384xf32, #tpu.memory_space<vmem>>, vector<16xf32>,
        %parallel_loop3A_178 = arith.constant 1.000000e+00 : f32
        %parallel_loop3A_179 = vector.broadcast %parallel_loop3A_178 : f32 to vector<16xf32>
        %parallel_loop3A_180 = arith.subf %parallel_loop3A_179, %parallel_loop3A_171 : vector<16xf32>
        %parallel_loop3A_181 = arith.constant 128 : i32
        %parallel_loop3A_182 = arith.addi %parallel_loop3A_175, %parallel_loop3A_181 : i32
        %parallel_loop3A_183 = arith.index_cast %parallel_loop3A_182 : i32 to index
        %parallel_loop3A_184 = tpu.vector_load %arg17[%parallel_loop3A_183] {strides = array<i32>} : memref<16384xf32, #tpu.memory_space<vmem>>, vector<16xf32>,
        tpu.vector_store %arg17[%parallel_loop3A_183], %parallel_loop3A_180 {strides = array<i32>} : memref<16384xf32, #tpu.memory_space<vmem>>, vector<16xf32>,
        %parallel_loop3A_185 = arith.constant 128 : i32
        %parallel_loop3A_186 = arith.muli %parallel_loop3A_134, %parallel_loop3A_185 : i32
        %parallel_loop3A_187 = arith.constant 32 : i32
        %parallel_loop3A_188 = arith.addi %parallel_loop3A_186, %parallel_loop3A_187 : i32
        %parallel_loop3A_189 = arith.index_cast %parallel_loop3A_188 : i32 to index
        %parallel_loop3A_190 = tpu.vector_load %arg15[%parallel_loop3A_189] {strides = array<i32>} : memref<8192xi32, #tpu.memory_space<vmem>>, vector<16xi32>,
        %parallel_loop3A_191 = tpu.vector_load_idx %arg11[%parallel_loop3A_190] : memref<64xf32, #tpu.memory_space<vmem>>[vector<16xi32>], vector<16xf32>,
        %parallel_loop3A_192 = tpu.vector_load_idx %arg12[%parallel_loop3A_190] : memref<64xf32, #tpu.memory_space<vmem>>[vector<16xi32>], vector<16xf32>,
        %parallel_loop3A_193 = arith.index_cast %parallel_loop3A_188 : i32 to index
        %parallel_loop3A_194 = tpu.vector_load %arg13[%parallel_loop3A_193] {strides = array<i32>} : memref<8192xf32, #tpu.memory_space<vmem>>, vector<16xf32>,
        %parallel_loop3A_195 = arith.subf %parallel_loop3A_194, %parallel_loop3A_191 : vector<16xf32>
        %parallel_loop3A_196 = arith.mulf %parallel_loop3A_195, %parallel_loop3A_192 : vector<16xf32>
        %parallel_loop3A_197 = arith.constant 256 : i32
        %parallel_loop3A_198 = arith.muli %parallel_loop3A_134, %parallel_loop3A_197 : i32
        %parallel_loop3A_199 = arith.constant 32 : i32
        %parallel_loop3A_200 = arith.addi %parallel_loop3A_198, %parallel_loop3A_199 : i32
        %parallel_loop3A_201 = arith.index_cast %parallel_loop3A_200 : i32 to index
        %parallel_loop3A_202 = tpu.vector_load %arg17[%parallel_loop3A_201] {strides = array<i32>} : memref<16384xf32, #tpu.memory_space<vmem>>, vector<16xf32>,
        tpu.vector_store %arg17[%parallel_loop3A_201], %parallel_loop3A_196 {strides = array<i32>} : memref<16384xf32, #tpu.memory_space<vmem>>, vector<16xf32>,
        %parallel_loop3A_203 = arith.constant 1.000000e+00 : f32
        %parallel_loop3A_204 = vector.broadcast %parallel_loop3A_203 : f32 to vector<16xf32>
        %parallel_loop3A_205 = arith.subf %parallel_loop3A_204, %parallel_loop3A_196 : vector<16xf32>
        %parallel_loop3A_206 = arith.constant 128 : i32
        %parallel_loop3A_207 = arith.addi %parallel_loop3A_200, %parallel_loop3A_206 : i32
        %parallel_loop3A_208 = arith.index_cast %parallel_loop3A_207 : i32 to index
        %parallel_loop3A_209 = tpu.vector_load %arg17[%parallel_loop3A_208] {strides = array<i32>} : memref<16384xf32, #tpu.memory_space<vmem>>, vector<16xf32>,
        tpu.vector_store %arg17[%parallel_loop3A_208], %parallel_loop3A_205 {strides = array<i32>} : memref<16384xf32, #tpu.memory_space<vmem>>, vector<16xf32>,
        %parallel_loop3A_210 = arith.constant 128 : i32
        %parallel_loop3A_211 = arith.muli %parallel_loop3A_134, %parallel_loop3A_210 : i32
        %parallel_loop3A_212 = arith.constant 48 : i32
        %parallel_loop3A_213 = arith.addi %parallel_loop3A_211, %parallel_loop3A_212 : i32
        %parallel_loop3A_214 = arith.index_cast %parallel_loop3A_213 : i32 to index
        %parallel_loop3A_215 = tpu.vector_load %arg15[%parallel_loop3A_214] {strides = array<i32>} : memref<8192xi32, #tpu.memory_space<vmem>>, vector<16xi32>,
        %parallel_loop3A_216 = tpu.vector_load_idx %arg11[%parallel_loop3A_215] : memref<64xf32, #tpu.memory_space<vmem>>[vector<16xi32>], vector<16xf32>,
        %parallel_loop3A_217 = tpu.vector_load_idx %arg12[%parallel_loop3A_215] : memref<64xf32, #tpu.memory_space<vmem>>[vector<16xi32>], vector<16xf32>,
        %parallel_loop3A_218 = arith.index_cast %parallel_loop3A_213 : i32 to index
        %parallel_loop3A_219 = tpu.vector_load %arg13[%parallel_loop3A_218] {strides = array<i32>} : memref<8192xf32, #tpu.memory_space<vmem>>, vector<16xf32>,
        %parallel_loop3A_220 = arith.subf %parallel_loop3A_219, %parallel_loop3A_216 : vector<16xf32>
        %parallel_loop3A_221 = arith.mulf %parallel_loop3A_220, %parallel_loop3A_217 : vector<16xf32>
        %parallel_loop3A_222 = arith.constant 256 : i32
        %parallel_loop3A_223 = arith.muli %parallel_loop3A_134, %parallel_loop3A_222 : i32
        %parallel_loop3A_224 = arith.constant 48 : i32
        %parallel_loop3A_225 = arith.addi %parallel_loop3A_223, %parallel_loop3A_224 : i32
        %parallel_loop3A_226 = arith.index_cast %parallel_loop3A_225 : i32 to index
        %parallel_loop3A_227 = tpu.vector_load %arg17[%parallel_loop3A_226] {strides = array<i32>} : memref<16384xf32, #tpu.memory_space<vmem>>, vector<16xf32>,
        tpu.vector_store %arg17[%parallel_loop3A_226], %parallel_loop3A_221 {strides = array<i32>} : memref<16384xf32, #tpu.memory_space<vmem>>, vector<16xf32>,
        %parallel_loop3A_228 = arith.constant 1.000000e+00 : f32
        %parallel_loop3A_229 = vector.broadcast %parallel_loop3A_228 : f32 to vector<16xf32>
        %parallel_loop3A_230 = arith.subf %parallel_loop3A_229, %parallel_loop3A_221 : vector<16xf32>
        %parallel_loop3A_231 = arith.constant 128 : i32
        %parallel_loop3A_232 = arith.addi %parallel_loop3A_225, %parallel_loop3A_231 : i32
        %parallel_loop3A_233 = arith.index_cast %parallel_loop3A_232 : i32 to index
        %parallel_loop3A_234 = tpu.vector_load %arg17[%parallel_loop3A_233] {strides = array<i32>} : memref<16384xf32, #tpu.memory_space<vmem>>, vector<16xf32>,
        tpu.vector_store %arg17[%parallel_loop3A_233], %parallel_loop3A_230 {strides = array<i32>} : memref<16384xf32, #tpu.memory_space<vmem>>, vector<16xf32>,
        %parallel_loop3A_235 = arith.constant 128 : i32
        %parallel_loop3A_236 = arith.muli %parallel_loop3A_134, %parallel_loop3A_235 : i32
        %parallel_loop3A_237 = arith.constant 64 : i32
        %parallel_loop3A_238 = arith.addi %parallel_loop3A_236, %parallel_loop3A_237 : i32
        %parallel_loop3A_239 = arith.index_cast %parallel_loop3A_238 : i32 to index
        %parallel_loop3A_240 = tpu.vector_load %arg15[%parallel_loop3A_239] {strides = array<i32>} : memref<8192xi32, #tpu.memory_space<vmem>>, vector<16xi32>,
        %parallel_loop3A_241 = tpu.vector_load_idx %arg11[%parallel_loop3A_240] : memref<64xf32, #tpu.memory_space<vmem>>[vector<16xi32>], vector<16xf32>,
        %parallel_loop3A_242 = tpu.vector_load_idx %arg12[%parallel_loop3A_240] : memref<64xf32, #tpu.memory_space<vmem>>[vector<16xi32>], vector<16xf32>,
        %parallel_loop3A_243 = arith.index_cast %parallel_loop3A_238 : i32 to index
        %parallel_loop3A_244 = tpu.vector_load %arg13[%parallel_loop3A_243] {strides = array<i32>} : memref<8192xf32, #tpu.memory_space<vmem>>, vector<16xf32>,
        %parallel_loop3A_245 = arith.subf %parallel_loop3A_244, %parallel_loop3A_241 : vector<16xf32>
        %parallel_loop3A_246 = arith.mulf %parallel_loop3A_245, %parallel_loop3A_242 : vector<16xf32>
        %parallel_loop3A_247 = arith.constant 256 : i32
        %parallel_loop3A_248 = arith.muli %parallel_loop3A_134, %parallel_loop3A_247 : i32
        %parallel_loop3A_249 = arith.constant 64 : i32
        %parallel_loop3A_250 = arith.addi %parallel_loop3A_248, %parallel_loop3A_249 : i32
        %parallel_loop3A_251 = arith.index_cast %parallel_loop3A_250 : i32 to index
        %parallel_loop3A_252 = tpu.vector_load %arg17[%parallel_loop3A_251] {strides = array<i32>} : memref<16384xf32, #tpu.memory_space<vmem>>, vector<16xf32>,
        tpu.vector_store %arg17[%parallel_loop3A_251], %parallel_loop3A_246 {strides = array<i32>} : memref<16384xf32, #tpu.memory_space<vmem>>, vector<16xf32>,
        %parallel_loop3A_253 = arith.constant 1.000000e+00 : f32
        %parallel_loop3A_254 = vector.broadcast %parallel_loop3A_253 : f32 to vector<16xf32>
        %parallel_loop3A_255 = arith.subf %parallel_loop3A_254, %parallel_loop3A_246 : vector<16xf32>
        %parallel_loop3A_256 = arith.constant 128 : i32
        %parallel_loop3A_257 = arith.addi %parallel_loop3A_250, %parallel_loop3A_256 : i32
        %parallel_loop3A_258 = arith.index_cast %parallel_loop3A_257 : i32 to index
        %parallel_loop3A_259 = tpu.vector_load %arg17[%parallel_loop3A_258] {strides = array<i32>} : memref<16384xf32, #tpu.memory_space<vmem>>, vector<16xf32>,
        tpu.vector_store %arg17[%parallel_loop3A_258], %parallel_loop3A_255 {strides = array<i32>} : memref<16384xf32, #tpu.memory_space<vmem>>, vector<16xf32>,
        %parallel_loop3A_260 = arith.constant 128 : i32
        %parallel_loop3A_261 = arith.muli %parallel_loop3A_134, %parallel_loop3A_260 : i32
        %parallel_loop3A_262 = arith.constant 80 : i32
        %parallel_loop3A_263 = arith.addi %parallel_loop3A_261, %parallel_loop3A_262 : i32
        %parallel_loop3A_264 = arith.index_cast %parallel_loop3A_263 : i32 to index
        %parallel_loop3A_265 = tpu.vector_load %arg15[%parallel_loop3A_264] {strides = array<i32>} : memref<8192xi32, #tpu.memory_space<vmem>>, vector<16xi32>,
        %parallel_loop3A_266 = tpu.vector_load_idx %arg11[%parallel_loop3A_265] : memref<64xf32, #tpu.memory_space<vmem>>[vector<16xi32>], vector<16xf32>,
        %parallel_loop3A_267 = tpu.vector_load_idx %arg12[%parallel_loop3A_265] : memref<64xf32, #tpu.memory_space<vmem>>[vector<16xi32>], vector<16xf32>,
        %parallel_loop3A_268 = arith.index_cast %parallel_loop3A_263 : i32 to index
        %parallel_loop3A_269 = tpu.vector_load %arg13[%parallel_loop3A_268] {strides = array<i32>} : memref<8192xf32, #tpu.memory_space<vmem>>, vector<16xf32>,
        %parallel_loop3A_270 = arith.subf %parallel_loop3A_269, %parallel_loop3A_266 : vector<16xf32>
        %parallel_loop3A_271 = arith.mulf %parallel_loop3A_270, %parallel_loop3A_267 : vector<16xf32>
        %parallel_loop3A_272 = arith.constant 256 : i32
        %parallel_loop3A_273 = arith.muli %parallel_loop3A_134, %parallel_loop3A_272 : i32
        %parallel_loop3A_274 = arith.constant 80 : i32
        %parallel_loop3A_275 = arith.addi %parallel_loop3A_273, %parallel_loop3A_274 : i32
        %parallel_loop3A_276 = arith.index_cast %parallel_loop3A_275 : i32 to index
        %parallel_loop3A_277 = tpu.vector_load %arg17[%parallel_loop3A_276] {strides = array<i32>} : memref<16384xf32, #tpu.memory_space<vmem>>, vector<16xf32>,
        tpu.vector_store %arg17[%parallel_loop3A_276], %parallel_loop3A_271 {strides = array<i32>} : memref<16384xf32, #tpu.memory_space<vmem>>, vector<16xf32>,
        %parallel_loop3A_278 = arith.constant 1.000000e+00 : f32
        %parallel_loop3A_279 = vector.broadcast %parallel_loop3A_278 : f32 to vector<16xf32>
        %parallel_loop3A_280 = arith.subf %parallel_loop3A_279, %parallel_loop3A_271 : vector<16xf32>
        %parallel_loop3A_281 = arith.constant 128 : i32
        %parallel_loop3A_282 = arith.addi %parallel_loop3A_275, %parallel_loop3A_281 : i32
        %parallel_loop3A_283 = arith.index_cast %parallel_loop3A_282 : i32 to index
        %parallel_loop3A_284 = tpu.vector_load %arg17[%parallel_loop3A_283] {strides = array<i32>} : memref<16384xf32, #tpu.memory_space<vmem>>, vector<16xf32>,
        tpu.vector_store %arg17[%parallel_loop3A_283], %parallel_loop3A_280 {strides = array<i32>} : memref<16384xf32, #tpu.memory_space<vmem>>, vector<16xf32>,
        %parallel_loop3A_285 = arith.constant 128 : i32
        %parallel_loop3A_286 = arith.muli %parallel_loop3A_134, %parallel_loop3A_285 : i32
        %parallel_loop3A_287 = arith.constant 96 : i32
        %parallel_loop3A_288 = arith.addi %parallel_loop3A_286, %parallel_loop3A_287 : i32
        %parallel_loop3A_289 = arith.index_cast %parallel_loop3A_288 : i32 to index
        %parallel_loop3A_290 = tpu.vector_load %arg15[%parallel_loop3A_289] {strides = array<i32>} : memref<8192xi32, #tpu.memory_space<vmem>>, vector<16xi32>,
        %parallel_loop3A_291 = tpu.vector_load_idx %arg11[%parallel_loop3A_290] : memref<64xf32, #tpu.memory_space<vmem>>[vector<16xi32>], vector<16xf32>,
        %parallel_loop3A_292 = tpu.vector_load_idx %arg12[%parallel_loop3A_290] : memref<64xf32, #tpu.memory_space<vmem>>[vector<16xi32>], vector<16xf32>,
        %parallel_loop3A_293 = arith.index_cast %parallel_loop3A_288 : i32 to index
        %parallel_loop3A_294 = tpu.vector_load %arg13[%parallel_loop3A_293] {strides = array<i32>} : memref<8192xf32, #tpu.memory_space<vmem>>, vector<16xf32>,
        %parallel_loop3A_295 = arith.subf %parallel_loop3A_294, %parallel_loop3A_291 : vector<16xf32>
        %parallel_loop3A_296 = arith.mulf %parallel_loop3A_295, %parallel_loop3A_292 : vector<16xf32>
        %parallel_loop3A_297 = arith.constant 256 : i32
        %parallel_loop3A_298 = arith.muli %parallel_loop3A_134, %parallel_loop3A_297 : i32
        %parallel_loop3A_299 = arith.constant 96 : i32
        %parallel_loop3A_300 = arith.addi %parallel_loop3A_298, %parallel_loop3A_299 : i32
        %parallel_loop3A_301 = arith.index_cast %parallel_loop3A_300 : i32 to index
        %parallel_loop3A_302 = tpu.vector_load %arg17[%parallel_loop3A_301] {strides = array<i32>} : memref<16384xf32, #tpu.memory_space<vmem>>, vector<16xf32>,
        tpu.vector_store %arg17[%parallel_loop3A_301], %parallel_loop3A_296 {strides = array<i32>} : memref<16384xf32, #tpu.memory_space<vmem>>, vector<16xf32>,
        %parallel_loop3A_303 = arith.constant 1.000000e+00 : f32
        %parallel_loop3A_304 = vector.broadcast %parallel_loop3A_303 : f32 to vector<16xf32>
        %parallel_loop3A_305 = arith.subf %parallel_loop3A_304, %parallel_loop3A_296 : vector<16xf32>
        %parallel_loop3A_306 = arith.constant 128 : i32
        %parallel_loop3A_307 = arith.addi %parallel_loop3A_300, %parallel_loop3A_306 : i32
        %parallel_loop3A_308 = arith.index_cast %parallel_loop3A_307 : i32 to index
        %parallel_loop3A_309 = tpu.vector_load %arg17[%parallel_loop3A_308] {strides = array<i32>} : memref<16384xf32, #tpu.memory_space<vmem>>, vector<16xf32>,
        tpu.vector_store %arg17[%parallel_loop3A_308], %parallel_loop3A_305 {strides = array<i32>} : memref<16384xf32, #tpu.memory_space<vmem>>, vector<16xf32>,
        %parallel_loop3A_310 = arith.constant 128 : i32
        %parallel_loop3A_311 = arith.muli %parallel_loop3A_134, %parallel_loop3A_310 : i32
        %parallel_loop3A_312 = arith.constant 112 : i32
        %parallel_loop3A_313 = arith.addi %parallel_loop3A_311, %parallel_loop3A_312 : i32
        %parallel_loop3A_314 = arith.index_cast %parallel_loop3A_313 : i32 to index
        %parallel_loop3A_315 = tpu.vector_load %arg15[%parallel_loop3A_314] {strides = array<i32>} : memref<8192xi32, #tpu.memory_space<vmem>>, vector<16xi32>,
        %parallel_loop3A_316 = tpu.vector_load_idx %arg11[%parallel_loop3A_315] : memref<64xf32, #tpu.memory_space<vmem>>[vector<16xi32>], vector<16xf32>,
        %parallel_loop3A_317 = tpu.vector_load_idx %arg12[%parallel_loop3A_315] : memref<64xf32, #tpu.memory_space<vmem>>[vector<16xi32>], vector<16xf32>,
        %parallel_loop3A_318 = arith.index_cast %parallel_loop3A_313 : i32 to index
        %parallel_loop3A_319 = tpu.vector_load %arg13[%parallel_loop3A_318] {strides = array<i32>} : memref<8192xf32, #tpu.memory_space<vmem>>, vector<16xf32>,
        %parallel_loop3A_320 = arith.subf %parallel_loop3A_319, %parallel_loop3A_316 : vector<16xf32>
        %parallel_loop3A_321 = arith.mulf %parallel_loop3A_320, %parallel_loop3A_317 : vector<16xf32>
        %parallel_loop3A_322 = arith.constant 256 : i32
        %parallel_loop3A_323 = arith.muli %parallel_loop3A_134, %parallel_loop3A_322 : i32
        %parallel_loop3A_324 = arith.constant 112 : i32
        %parallel_loop3A_325 = arith.addi %parallel_loop3A_323, %parallel_loop3A_324 : i32
        %parallel_loop3A_326 = arith.index_cast %parallel_loop3A_325 : i32 to index
        %parallel_loop3A_327 = tpu.vector_load %arg17[%parallel_loop3A_326] {strides = array<i32>} : memref<16384xf32, #tpu.memory_space<vmem>>, vector<16xf32>,
        tpu.vector_store %arg17[%parallel_loop3A_326], %parallel_loop3A_321 {strides = array<i32>} : memref<16384xf32, #tpu.memory_space<vmem>>, vector<16xf32>,
        %parallel_loop3A_328 = arith.constant 1.000000e+00 : f32
        %parallel_loop3A_329 = vector.broadcast %parallel_loop3A_328 : f32 to vector<16xf32>
        %parallel_loop3A_330 = arith.subf %parallel_loop3A_329, %parallel_loop3A_321 : vector<16xf32>
        %parallel_loop3A_331 = arith.constant 128 : i32
        %parallel_loop3A_332 = arith.addi %parallel_loop3A_325, %parallel_loop3A_331 : i32
        %parallel_loop3A_333 = arith.index_cast %parallel_loop3A_332 : i32 to index
        %parallel_loop3A_334 = tpu.vector_load %arg17[%parallel_loop3A_333] {strides = array<i32>} : memref<16384xf32, #tpu.memory_space<vmem>>, vector<16xf32>,
        tpu.vector_store %arg17[%parallel_loop3A_333], %parallel_loop3A_330 {strides = array<i32>} : memref<16384xf32, #tpu.memory_space<vmem>>, vector<16xf32>,
      } {sc.loop_unroll_factor = 4 : i64, sc.parallel_access}
      %mul3A_94 = arith.constant 2 : i32
      %mul3A_95 = arith.muli %mul3A_94, %add3A_81 : i32
      %dma_start3A_96 = tpu.memref_slice %arg7[%mul3A_95] : memref<4194304xf32, #tpu.memory_space<hbm>> -> memref<16384xf32, #tpu.memory_space<hbm>>
      %dma_start3A_97 = tpu.memref_slice %arg7[%mul3A_95] : memref<4194304xf32, #tpu.memory_space<hbm>> -> memref<16384xf32, #tpu.memory_space<hbm>>
      tpu.enqueue_dma source(%arg17 : memref<16384xf32, #tpu.memory_space<vmem>>) target(%dma_start3A_97 : memref<16384xf32, #tpu.memory_space<hbm>>) target_semaphore(%arg23 : memref<!tpu.dma_semaphore, #tpu.memory_space<semaphore_mem>>)
      %lt3A = arith.constant 3 : i32
      %lt3A_98 = arith.cmpi slt, %scan3A_74, %lt3A : i32
      %convert_element_type3A_99 = arith.extui %lt3A_98 : i1 to i32
      %cond3A_100 = arith.constant 0 : i32
      %cond3A_101 = arith.cmpi ne, %convert_element_type3A_99, %cond3A_100 : i32
      scf.if %cond3A_101 {
        %add3A_134 = arith.constant 16384 : i32
        %add3A_135 = arith.addi %add3A_81, %add3A_134 : i32
        %dma_start3A_136 = tpu.memref_slice %arg2[%add3A_135] : memref<2097152xf32, #tpu.memory_space<hbm>> -> memref<8192xf32, #tpu.memory_space<hbm>>
        %dma_start3A_137 = tpu.memref_slice %arg2[%add3A_135] : memref<2097152xf32, #tpu.memory_space<hbm>> -> memref<8192xf32, #tpu.memory_space<hbm>>
        tpu.enqueue_dma source(%dma_start3A_137 : memref<8192xf32, #tpu.memory_space<hbm>>) target(%arg13 : memref<8192xf32, #tpu.memory_space<vmem>>) target_semaphore(%arg19 : memref<!tpu.dma_semaphore, #tpu.memory_space<semaphore_mem>>)
        %dma_start3A_138 = tpu.memref_slice %arg3[%add3A_135] : memref<2097152xi32, #tpu.memory_space<hbm>> -> memref<8192xi32, #tpu.memory_space<hbm>>
        %dma_start3A_139 = tpu.memref_slice %arg3[%add3A_135] : memref<2097152xi32, #tpu.memory_space<hbm>> -> memref<8192xi32, #tpu.memory_space<hbm>>
        tpu.enqueue_dma source(%dma_start3A_139 : memref<8192xi32, #tpu.memory_space<hbm>>) target(%arg15 : memref<8192xi32, #tpu.memory_space<vmem>>) target_semaphore(%arg21 : memref<!tpu.dma_semaphore, #tpu.memory_space<semaphore_mem>>)
      } else {
      }
      %mul3A_102 = arith.constant 2 : i32
      %mul3A_103 = arith.muli %mul3A_102, %scan3A_74 : i32
      %add3A_104 = arith.constant 1 : i32
      %add3A_105 = arith.addi %mul3A_103, %add3A_104 : i32
      %mul3A_106 = arith.constant 8192 : i32
      %mul3A_107 = arith.muli %add3A_105, %mul3A_106 : i32
      %add3A_108 = arith.addi %mul3A_2, %mul3A_107 : i32
      %dma_wait3A_109 = arith.constant 0 : i32
      %dma_wait3A_110 = tpu.memref_slice %arg2[%dma_wait3A_109] : memref<2097152xf32, #tpu.memory_space<hbm>> -> memref<8192xf32, #tpu.memory_space<hbm>>
      %dma_wait3A_111 = arith.constant 0 : i32
      %dma_wait3A_112 = tpu.memref_slice %arg2[%dma_wait3A_111] : memref<2097152xf32, #tpu.memory_space<hbm>> -> memref<8192xf32, #tpu.memory_space<hbm>>
      tpu.wait_dma2 semaphore(%arg20 : memref<!tpu.dma_semaphore, #tpu.memory_space<semaphore_mem>>) src(%dma_wait3A_112 : memref<8192xf32, #tpu.memory_space<hbm>>) dst(%arg14 : memref<8192xf32, #tpu.memory_space<vmem>>)
      %dma_wait3A_113 = arith.constant 0 : i32
      %dma_wait3A_114 = tpu.memref_slice %arg3[%dma_wait3A_113] : memref<2097152xi32, #tpu.memory_space<hbm>> -> memref<8192xi32, #tpu.memory_space<hbm>>
      %dma_wait3A_115 = arith.constant 0 : i32
      %dma_wait3A_116 = tpu.memref_slice %arg3[%dma_wait3A_115] : memref<2097152xi32, #tpu.memory_space<hbm>> -> memref<8192xi32, #tpu.memory_space<hbm>>
      tpu.wait_dma2 semaphore(%arg22 : memref<!tpu.dma_semaphore, #tpu.memory_space<semaphore_mem>>) src(%dma_wait3A_116 : memref<8192xi32, #tpu.memory_space<hbm>>) dst(%arg16 : memref<8192xi32, #tpu.memory_space<vmem>>)
      %gt3A_117 = arith.constant 0 : i32
      %gt3A_118 = arith.cmpi sgt, %scan3A_74, %gt3A_117 : i32
      %convert_element_type3A_119 = arith.extui %gt3A_118 : i1 to i32
      %cond3A_120 = arith.constant 0 : i32
      %cond3A_121 = arith.cmpi ne, %convert_element_type3A_119, %cond3A_120 : i32
      scf.if %cond3A_121 {
        %dma_wait3A_134 = arith.constant 0 : i32
        %dma_wait3A_135 = tpu.memref_slice %arg7[%dma_wait3A_134] : memref<4194304xf32, #tpu.memory_space<hbm>> -> memref<16384xf32, #tpu.memory_space<hbm>>
        %dma_wait3A_136 = arith.constant 0 : i32
        %dma_wait3A_137 = tpu.memref_slice %arg7[%dma_wait3A_136] : memref<4194304xf32, #tpu.memory_space<hbm>> -> memref<16384xf32, #tpu.memory_space<hbm>>
        tpu.wait_dma2 semaphore(%arg24 : memref<!tpu.dma_semaphore, #tpu.memory_space<semaphore_mem>>) src(%arg18 : memref<16384xf32, #tpu.memory_space<vmem>>) dst(%dma_wait3A_137 : memref<16384xf32, #tpu.memory_space<hbm>>)
      } else {
      }
      %parallel_loop3A_122 = arith.constant 0 : i32
      %parallel_loop3A_123 = arith.constant 64 : i32
      %parallel_loop3A_124 = arith.constant 1 : i32
      scf.for %parallel_loop3A_134 = %parallel_loop3A_122 to %parallel_loop3A_123 step %parallel_loop3A_124  : i32 {
        %parallel_loop3A_135 = arith.constant 128 : i32
        %parallel_loop3A_136 = arith.muli %parallel_loop3A_134, %parallel_loop3A_135 : i32
        %parallel_loop3A_137 = arith.constant 0 : i32
        %parallel_loop3A_138 = arith.addi %parallel_loop3A_136, %parallel_loop3A_137 : i32
        %parallel_loop3A_139 = arith.index_cast %parallel_loop3A_138 : i32 to index
        %parallel_loop3A_140 = tpu.vector_load %arg16[%parallel_loop3A_139] {strides = array<i32>} : memref<8192xi32, #tpu.memory_space<vmem>>, vector<16xi32>,
        %parallel_loop3A_141 = tpu.vector_load_idx %arg11[%parallel_loop3A_140] : memref<64xf32, #tpu.memory_space<vmem>>[vector<16xi32>], vector<16xf32>,
        %parallel_loop3A_142 = tpu.vector_load_idx %arg12[%parallel_loop3A_140] : memref<64xf32, #tpu.memory_space<vmem>>[vector<16xi32>], vector<16xf32>,
        %parallel_loop3A_143 = arith.index_cast %parallel_loop3A_138 : i32 to index
        %parallel_loop3A_144 = tpu.vector_load %arg14[%parallel_loop3A_143] {strides = array<i32>} : memref<8192xf32, #tpu.memory_space<vmem>>, vector<16xf32>,
        %parallel_loop3A_145 = arith.subf %parallel_loop3A_144, %parallel_loop3A_141 : vector<16xf32>
        %parallel_loop3A_146 = arith.mulf %parallel_loop3A_145, %parallel_loop3A_142 : vector<16xf32>
        %parallel_loop3A_147 = arith.constant 256 : i32
        %parallel_loop3A_148 = arith.muli %parallel_loop3A_134, %parallel_loop3A_147 : i32
        %parallel_loop3A_149 = arith.constant 0 : i32
        %parallel_loop3A_150 = arith.addi %parallel_loop3A_148, %parallel_loop3A_149 : i32
        %parallel_loop3A_151 = arith.index_cast %parallel_loop3A_150 : i32 to index
        %parallel_loop3A_152 = tpu.vector_load %arg18[%parallel_loop3A_151] {strides = array<i32>} : memref<16384xf32, #tpu.memory_space<vmem>>, vector<16xf32>,
        tpu.vector_store %arg18[%parallel_loop3A_151], %parallel_loop3A_146 {strides = array<i32>} : memref<16384xf32, #tpu.memory_space<vmem>>, vector<16xf32>,
        %parallel_loop3A_153 = arith.constant 1.000000e+00 : f32
        %parallel_loop3A_154 = vector.broadcast %parallel_loop3A_153 : f32 to vector<16xf32>
        %parallel_loop3A_155 = arith.subf %parallel_loop3A_154, %parallel_loop3A_146 : vector<16xf32>
        %parallel_loop3A_156 = arith.constant 128 : i32
        %parallel_loop3A_157 = arith.addi %parallel_loop3A_150, %parallel_loop3A_156 : i32
        %parallel_loop3A_158 = arith.index_cast %parallel_loop3A_157 : i32 to index
        %parallel_loop3A_159 = tpu.vector_load %arg18[%parallel_loop3A_158] {strides = array<i32>} : memref<16384xf32, #tpu.memory_space<vmem>>, vector<16xf32>,
        tpu.vector_store %arg18[%parallel_loop3A_158], %parallel_loop3A_155 {strides = array<i32>} : memref<16384xf32, #tpu.memory_space<vmem>>, vector<16xf32>,
        %parallel_loop3A_160 = arith.constant 128 : i32
        %parallel_loop3A_161 = arith.muli %parallel_loop3A_134, %parallel_loop3A_160 : i32
        %parallel_loop3A_162 = arith.constant 16 : i32
        %parallel_loop3A_163 = arith.addi %parallel_loop3A_161, %parallel_loop3A_162 : i32
        %parallel_loop3A_164 = arith.index_cast %parallel_loop3A_163 : i32 to index
        %parallel_loop3A_165 = tpu.vector_load %arg16[%parallel_loop3A_164] {strides = array<i32>} : memref<8192xi32, #tpu.memory_space<vmem>>, vector<16xi32>,
        %parallel_loop3A_166 = tpu.vector_load_idx %arg11[%parallel_loop3A_165] : memref<64xf32, #tpu.memory_space<vmem>>[vector<16xi32>], vector<16xf32>,
        %parallel_loop3A_167 = tpu.vector_load_idx %arg12[%parallel_loop3A_165] : memref<64xf32, #tpu.memory_space<vmem>>[vector<16xi32>], vector<16xf32>,
        %parallel_loop3A_168 = arith.index_cast %parallel_loop3A_163 : i32 to index
        %parallel_loop3A_169 = tpu.vector_load %arg14[%parallel_loop3A_168] {strides = array<i32>} : memref<8192xf32, #tpu.memory_space<vmem>>, vector<16xf32>,
        %parallel_loop3A_170 = arith.subf %parallel_loop3A_169, %parallel_loop3A_166 : vector<16xf32>
        %parallel_loop3A_171 = arith.mulf %parallel_loop3A_170, %parallel_loop3A_167 : vector<16xf32>
        %parallel_loop3A_172 = arith.constant 256 : i32
        %parallel_loop3A_173 = arith.muli %parallel_loop3A_134, %parallel_loop3A_172 : i32
        %parallel_loop3A_174 = arith.constant 16 : i32
        %parallel_loop3A_175 = arith.addi %parallel_loop3A_173, %parallel_loop3A_174 : i32
        %parallel_loop3A_176 = arith.index_cast %parallel_loop3A_175 : i32 to index
        %parallel_loop3A_177 = tpu.vector_load %arg18[%parallel_loop3A_176] {strides = array<i32>} : memref<16384xf32, #tpu.memory_space<vmem>>, vector<16xf32>,
        tpu.vector_store %arg18[%parallel_loop3A_176], %parallel_loop3A_171 {strides = array<i32>} : memref<16384xf32, #tpu.memory_space<vmem>>, vector<16xf32>,
        %parallel_loop3A_178 = arith.constant 1.000000e+00 : f32
        %parallel_loop3A_179 = vector.broadcast %parallel_loop3A_178 : f32 to vector<16xf32>
        %parallel_loop3A_180 = arith.subf %parallel_loop3A_179, %parallel_loop3A_171 : vector<16xf32>
        %parallel_loop3A_181 = arith.constant 128 : i32
        %parallel_loop3A_182 = arith.addi %parallel_loop3A_175, %parallel_loop3A_181 : i32
        %parallel_loop3A_183 = arith.index_cast %parallel_loop3A_182 : i32 to index
        %parallel_loop3A_184 = tpu.vector_load %arg18[%parallel_loop3A_183] {strides = array<i32>} : memref<16384xf32, #tpu.memory_space<vmem>>, vector<16xf32>,
        tpu.vector_store %arg18[%parallel_loop3A_183], %parallel_loop3A_180 {strides = array<i32>} : memref<16384xf32, #tpu.memory_space<vmem>>, vector<16xf32>,
        %parallel_loop3A_185 = arith.constant 128 : i32
        %parallel_loop3A_186 = arith.muli %parallel_loop3A_134, %parallel_loop3A_185 : i32
        %parallel_loop3A_187 = arith.constant 32 : i32
        %parallel_loop3A_188 = arith.addi %parallel_loop3A_186, %parallel_loop3A_187 : i32
        %parallel_loop3A_189 = arith.index_cast %parallel_loop3A_188 : i32 to index
        %parallel_loop3A_190 = tpu.vector_load %arg16[%parallel_loop3A_189] {strides = array<i32>} : memref<8192xi32, #tpu.memory_space<vmem>>, vector<16xi32>,
        %parallel_loop3A_191 = tpu.vector_load_idx %arg11[%parallel_loop3A_190] : memref<64xf32, #tpu.memory_space<vmem>>[vector<16xi32>], vector<16xf32>,
        %parallel_loop3A_192 = tpu.vector_load_idx %arg12[%parallel_loop3A_190] : memref<64xf32, #tpu.memory_space<vmem>>[vector<16xi32>], vector<16xf32>,
        %parallel_loop3A_193 = arith.index_cast %parallel_loop3A_188 : i32 to index
        %parallel_loop3A_194 = tpu.vector_load %arg14[%parallel_loop3A_193] {strides = array<i32>} : memref<8192xf32, #tpu.memory_space<vmem>>, vector<16xf32>,
        %parallel_loop3A_195 = arith.subf %parallel_loop3A_194, %parallel_loop3A_191 : vector<16xf32>
        %parallel_loop3A_196 = arith.mulf %parallel_loop3A_195, %parallel_loop3A_192 : vector<16xf32>
        %parallel_loop3A_197 = arith.constant 256 : i32
        %parallel_loop3A_198 = arith.muli %parallel_loop3A_134, %parallel_loop3A_197 : i32
        %parallel_loop3A_199 = arith.constant 32 : i32
        %parallel_loop3A_200 = arith.addi %parallel_loop3A_198, %parallel_loop3A_199 : i32
        %parallel_loop3A_201 = arith.index_cast %parallel_loop3A_200 : i32 to index
        %parallel_loop3A_202 = tpu.vector_load %arg18[%parallel_loop3A_201] {strides = array<i32>} : memref<16384xf32, #tpu.memory_space<vmem>>, vector<16xf32>,
        tpu.vector_store %arg18[%parallel_loop3A_201], %parallel_loop3A_196 {strides = array<i32>} : memref<16384xf32, #tpu.memory_space<vmem>>, vector<16xf32>,
        %parallel_loop3A_203 = arith.constant 1.000000e+00 : f32
        %parallel_loop3A_204 = vector.broadcast %parallel_loop3A_203 : f32 to vector<16xf32>
        %parallel_loop3A_205 = arith.subf %parallel_loop3A_204, %parallel_loop3A_196 : vector<16xf32>
        %parallel_loop3A_206 = arith.constant 128 : i32
        %parallel_loop3A_207 = arith.addi %parallel_loop3A_200, %parallel_loop3A_206 : i32
        %parallel_loop3A_208 = arith.index_cast %parallel_loop3A_207 : i32 to index
        %parallel_loop3A_209 = tpu.vector_load %arg18[%parallel_loop3A_208] {strides = array<i32>} : memref<16384xf32, #tpu.memory_space<vmem>>, vector<16xf32>,
        tpu.vector_store %arg18[%parallel_loop3A_208], %parallel_loop3A_205 {strides = array<i32>} : memref<16384xf32, #tpu.memory_space<vmem>>, vector<16xf32>,
        %parallel_loop3A_210 = arith.constant 128 : i32
        %parallel_loop3A_211 = arith.muli %parallel_loop3A_134, %parallel_loop3A_210 : i32
        %parallel_loop3A_212 = arith.constant 48 : i32
        %parallel_loop3A_213 = arith.addi %parallel_loop3A_211, %parallel_loop3A_212 : i32
        %parallel_loop3A_214 = arith.index_cast %parallel_loop3A_213 : i32 to index
        %parallel_loop3A_215 = tpu.vector_load %arg16[%parallel_loop3A_214] {strides = array<i32>} : memref<8192xi32, #tpu.memory_space<vmem>>, vector<16xi32>,
        %parallel_loop3A_216 = tpu.vector_load_idx %arg11[%parallel_loop3A_215] : memref<64xf32, #tpu.memory_space<vmem>>[vector<16xi32>], vector<16xf32>,
        %parallel_loop3A_217 = tpu.vector_load_idx %arg12[%parallel_loop3A_215] : memref<64xf32, #tpu.memory_space<vmem>>[vector<16xi32>], vector<16xf32>,
        %parallel_loop3A_218 = arith.index_cast %parallel_loop3A_213 : i32 to index
        %parallel_loop3A_219 = tpu.vector_load %arg14[%parallel_loop3A_218] {strides = array<i32>} : memref<8192xf32, #tpu.memory_space<vmem>>, vector<16xf32>,
        %parallel_loop3A_220 = arith.subf %parallel_loop3A_219, %parallel_loop3A_216 : vector<16xf32>
        %parallel_loop3A_221 = arith.mulf %parallel_loop3A_220, %parallel_loop3A_217 : vector<16xf32>
        %parallel_loop3A_222 = arith.constant 256 : i32
        %parallel_loop3A_223 = arith.muli %parallel_loop3A_134, %parallel_loop3A_222 : i32
        %parallel_loop3A_224 = arith.constant 48 : i32
        %parallel_loop3A_225 = arith.addi %parallel_loop3A_223, %parallel_loop3A_224 : i32
        %parallel_loop3A_226 = arith.index_cast %parallel_loop3A_225 : i32 to index
        %parallel_loop3A_227 = tpu.vector_load %arg18[%parallel_loop3A_226] {strides = array<i32>} : memref<16384xf32, #tpu.memory_space<vmem>>, vector<16xf32>,
        tpu.vector_store %arg18[%parallel_loop3A_226], %parallel_loop3A_221 {strides = array<i32>} : memref<16384xf32, #tpu.memory_space<vmem>>, vector<16xf32>,
        %parallel_loop3A_228 = arith.constant 1.000000e+00 : f32
        %parallel_loop3A_229 = vector.broadcast %parallel_loop3A_228 : f32 to vector<16xf32>
        %parallel_loop3A_230 = arith.subf %parallel_loop3A_229, %parallel_loop3A_221 : vector<16xf32>
        %parallel_loop3A_231 = arith.constant 128 : i32
        %parallel_loop3A_232 = arith.addi %parallel_loop3A_225, %parallel_loop3A_231 : i32
        %parallel_loop3A_233 = arith.index_cast %parallel_loop3A_232 : i32 to index
        %parallel_loop3A_234 = tpu.vector_load %arg18[%parallel_loop3A_233] {strides = array<i32>} : memref<16384xf32, #tpu.memory_space<vmem>>, vector<16xf32>,
        tpu.vector_store %arg18[%parallel_loop3A_233], %parallel_loop3A_230 {strides = array<i32>} : memref<16384xf32, #tpu.memory_space<vmem>>, vector<16xf32>,
        %parallel_loop3A_235 = arith.constant 128 : i32
        %parallel_loop3A_236 = arith.muli %parallel_loop3A_134, %parallel_loop3A_235 : i32
        %parallel_loop3A_237 = arith.constant 64 : i32
        %parallel_loop3A_238 = arith.addi %parallel_loop3A_236, %parallel_loop3A_237 : i32
        %parallel_loop3A_239 = arith.index_cast %parallel_loop3A_238 : i32 to index
        %parallel_loop3A_240 = tpu.vector_load %arg16[%parallel_loop3A_239] {strides = array<i32>} : memref<8192xi32, #tpu.memory_space<vmem>>, vector<16xi32>,
        %parallel_loop3A_241 = tpu.vector_load_idx %arg11[%parallel_loop3A_240] : memref<64xf32, #tpu.memory_space<vmem>>[vector<16xi32>], vector<16xf32>,
        %parallel_loop3A_242 = tpu.vector_load_idx %arg12[%parallel_loop3A_240] : memref<64xf32, #tpu.memory_space<vmem>>[vector<16xi32>], vector<16xf32>,
        %parallel_loop3A_243 = arith.index_cast %parallel_loop3A_238 : i32 to index
        %parallel_loop3A_244 = tpu.vector_load %arg14[%parallel_loop3A_243] {strides = array<i32>} : memref<8192xf32, #tpu.memory_space<vmem>>, vector<16xf32>,
        %parallel_loop3A_245 = arith.subf %parallel_loop3A_244, %parallel_loop3A_241 : vector<16xf32>
        %parallel_loop3A_246 = arith.mulf %parallel_loop3A_245, %parallel_loop3A_242 : vector<16xf32>
        %parallel_loop3A_247 = arith.constant 256 : i32
        %parallel_loop3A_248 = arith.muli %parallel_loop3A_134, %parallel_loop3A_247 : i32
        %parallel_loop3A_249 = arith.constant 64 : i32
        %parallel_loop3A_250 = arith.addi %parallel_loop3A_248, %parallel_loop3A_249 : i32
        %parallel_loop3A_251 = arith.index_cast %parallel_loop3A_250 : i32 to index
        %parallel_loop3A_252 = tpu.vector_load %arg18[%parallel_loop3A_251] {strides = array<i32>} : memref<16384xf32, #tpu.memory_space<vmem>>, vector<16xf32>,
        tpu.vector_store %arg18[%parallel_loop3A_251], %parallel_loop3A_246 {strides = array<i32>} : memref<16384xf32, #tpu.memory_space<vmem>>, vector<16xf32>,
        %parallel_loop3A_253 = arith.constant 1.000000e+00 : f32
        %parallel_loop3A_254 = vector.broadcast %parallel_loop3A_253 : f32 to vector<16xf32>
        %parallel_loop3A_255 = arith.subf %parallel_loop3A_254, %parallel_loop3A_246 : vector<16xf32>
        %parallel_loop3A_256 = arith.constant 128 : i32
        %parallel_loop3A_257 = arith.addi %parallel_loop3A_250, %parallel_loop3A_256 : i32
        %parallel_loop3A_258 = arith.index_cast %parallel_loop3A_257 : i32 to index
        %parallel_loop3A_259 = tpu.vector_load %arg18[%parallel_loop3A_258] {strides = array<i32>} : memref<16384xf32, #tpu.memory_space<vmem>>, vector<16xf32>,
        tpu.vector_store %arg18[%parallel_loop3A_258], %parallel_loop3A_255 {strides = array<i32>} : memref<16384xf32, #tpu.memory_space<vmem>>, vector<16xf32>,
        %parallel_loop3A_260 = arith.constant 128 : i32
        %parallel_loop3A_261 = arith.muli %parallel_loop3A_134, %parallel_loop3A_260 : i32
        %parallel_loop3A_262 = arith.constant 80 : i32
        %parallel_loop3A_263 = arith.addi %parallel_loop3A_261, %parallel_loop3A_262 : i32
        %parallel_loop3A_264 = arith.index_cast %parallel_loop3A_263 : i32 to index
        %parallel_loop3A_265 = tpu.vector_load %arg16[%parallel_loop3A_264] {strides = array<i32>} : memref<8192xi32, #tpu.memory_space<vmem>>, vector<16xi32>,
        %parallel_loop3A_266 = tpu.vector_load_idx %arg11[%parallel_loop3A_265] : memref<64xf32, #tpu.memory_space<vmem>>[vector<16xi32>], vector<16xf32>,
        %parallel_loop3A_267 = tpu.vector_load_idx %arg12[%parallel_loop3A_265] : memref<64xf32, #tpu.memory_space<vmem>>[vector<16xi32>], vector<16xf32>,
        %parallel_loop3A_268 = arith.index_cast %parallel_loop3A_263 : i32 to index
        %parallel_loop3A_269 = tpu.vector_load %arg14[%parallel_loop3A_268] {strides = array<i32>} : memref<8192xf32, #tpu.memory_space<vmem>>, vector<16xf32>,
        %parallel_loop3A_270 = arith.subf %parallel_loop3A_269, %parallel_loop3A_266 : vector<16xf32>
        %parallel_loop3A_271 = arith.mulf %parallel_loop3A_270, %parallel_loop3A_267 : vector<16xf32>
        %parallel_loop3A_272 = arith.constant 256 : i32
        %parallel_loop3A_273 = arith.muli %parallel_loop3A_134, %parallel_loop3A_272 : i32
        %parallel_loop3A_274 = arith.constant 80 : i32
        %parallel_loop3A_275 = arith.addi %parallel_loop3A_273, %parallel_loop3A_274 : i32
        %parallel_loop3A_276 = arith.index_cast %parallel_loop3A_275 : i32 to index
        %parallel_loop3A_277 = tpu.vector_load %arg18[%parallel_loop3A_276] {strides = array<i32>} : memref<16384xf32, #tpu.memory_space<vmem>>, vector<16xf32>,
        tpu.vector_store %arg18[%parallel_loop3A_276], %parallel_loop3A_271 {strides = array<i32>} : memref<16384xf32, #tpu.memory_space<vmem>>, vector<16xf32>,
        %parallel_loop3A_278 = arith.constant 1.000000e+00 : f32
        %parallel_loop3A_279 = vector.broadcast %parallel_loop3A_278 : f32 to vector<16xf32>
        %parallel_loop3A_280 = arith.subf %parallel_loop3A_279, %parallel_loop3A_271 : vector<16xf32>
        %parallel_loop3A_281 = arith.constant 128 : i32
        %parallel_loop3A_282 = arith.addi %parallel_loop3A_275, %parallel_loop3A_281 : i32
        %parallel_loop3A_283 = arith.index_cast %parallel_loop3A_282 : i32 to index
        %parallel_loop3A_284 = tpu.vector_load %arg18[%parallel_loop3A_283] {strides = array<i32>} : memref<16384xf32, #tpu.memory_space<vmem>>, vector<16xf32>,
        tpu.vector_store %arg18[%parallel_loop3A_283], %parallel_loop3A_280 {strides = array<i32>} : memref<16384xf32, #tpu.memory_space<vmem>>, vector<16xf32>,
        %parallel_loop3A_285 = arith.constant 128 : i32
        %parallel_loop3A_286 = arith.muli %parallel_loop3A_134, %parallel_loop3A_285 : i32
        %parallel_loop3A_287 = arith.constant 96 : i32
        %parallel_loop3A_288 = arith.addi %parallel_loop3A_286, %parallel_loop3A_287 : i32
        %parallel_loop3A_289 = arith.index_cast %parallel_loop3A_288 : i32 to index
        %parallel_loop3A_290 = tpu.vector_load %arg16[%parallel_loop3A_289] {strides = array<i32>} : memref<8192xi32, #tpu.memory_space<vmem>>, vector<16xi32>,
        %parallel_loop3A_291 = tpu.vector_load_idx %arg11[%parallel_loop3A_290] : memref<64xf32, #tpu.memory_space<vmem>>[vector<16xi32>], vector<16xf32>,
        %parallel_loop3A_292 = tpu.vector_load_idx %arg12[%parallel_loop3A_290] : memref<64xf32, #tpu.memory_space<vmem>>[vector<16xi32>], vector<16xf32>,
        %parallel_loop3A_293 = arith.index_cast %parallel_loop3A_288 : i32 to index
        %parallel_loop3A_294 = tpu.vector_load %arg14[%parallel_loop3A_293] {strides = array<i32>} : memref<8192xf32, #tpu.memory_space<vmem>>, vector<16xf32>,
        %parallel_loop3A_295 = arith.subf %parallel_loop3A_294, %parallel_loop3A_291 : vector<16xf32>
        %parallel_loop3A_296 = arith.mulf %parallel_loop3A_295, %parallel_loop3A_292 : vector<16xf32>
        %parallel_loop3A_297 = arith.constant 256 : i32
        %parallel_loop3A_298 = arith.muli %parallel_loop3A_134, %parallel_loop3A_297 : i32
        %parallel_loop3A_299 = arith.constant 96 : i32
        %parallel_loop3A_300 = arith.addi %parallel_loop3A_298, %parallel_loop3A_299 : i32
        %parallel_loop3A_301 = arith.index_cast %parallel_loop3A_300 : i32 to index
        %parallel_loop3A_302 = tpu.vector_load %arg18[%parallel_loop3A_301] {strides = array<i32>} : memref<16384xf32, #tpu.memory_space<vmem>>, vector<16xf32>,
        tpu.vector_store %arg18[%parallel_loop3A_301], %parallel_loop3A_296 {strides = array<i32>} : memref<16384xf32, #tpu.memory_space<vmem>>, vector<16xf32>,
        %parallel_loop3A_303 = arith.constant 1.000000e+00 : f32
        %parallel_loop3A_304 = vector.broadcast %parallel_loop3A_303 : f32 to vector<16xf32>
        %parallel_loop3A_305 = arith.subf %parallel_loop3A_304, %parallel_loop3A_296 : vector<16xf32>
        %parallel_loop3A_306 = arith.constant 128 : i32
        %parallel_loop3A_307 = arith.addi %parallel_loop3A_300, %parallel_loop3A_306 : i32
        %parallel_loop3A_308 = arith.index_cast %parallel_loop3A_307 : i32 to index
        %parallel_loop3A_309 = tpu.vector_load %arg18[%parallel_loop3A_308] {strides = array<i32>} : memref<16384xf32, #tpu.memory_space<vmem>>, vector<16xf32>,
        tpu.vector_store %arg18[%parallel_loop3A_308], %parallel_loop3A_305 {strides = array<i32>} : memref<16384xf32, #tpu.memory_space<vmem>>, vector<16xf32>,
        %parallel_loop3A_310 = arith.constant 128 : i32
        %parallel_loop3A_311 = arith.muli %parallel_loop3A_134, %parallel_loop3A_310 : i32
        %parallel_loop3A_312 = arith.constant 112 : i32
        %parallel_loop3A_313 = arith.addi %parallel_loop3A_311, %parallel_loop3A_312 : i32
        %parallel_loop3A_314 = arith.index_cast %parallel_loop3A_313 : i32 to index
        %parallel_loop3A_315 = tpu.vector_load %arg16[%parallel_loop3A_314] {strides = array<i32>} : memref<8192xi32, #tpu.memory_space<vmem>>, vector<16xi32>,
        %parallel_loop3A_316 = tpu.vector_load_idx %arg11[%parallel_loop3A_315] : memref<64xf32, #tpu.memory_space<vmem>>[vector<16xi32>], vector<16xf32>,
        %parallel_loop3A_317 = tpu.vector_load_idx %arg12[%parallel_loop3A_315] : memref<64xf32, #tpu.memory_space<vmem>>[vector<16xi32>], vector<16xf32>,
        %parallel_loop3A_318 = arith.index_cast %parallel_loop3A_313 : i32 to index
        %parallel_loop3A_319 = tpu.vector_load %arg14[%parallel_loop3A_318] {strides = array<i32>} : memref<8192xf32, #tpu.memory_space<vmem>>, vector<16xf32>,
        %parallel_loop3A_320 = arith.subf %parallel_loop3A_319, %parallel_loop3A_316 : vector<16xf32>
        %parallel_loop3A_321 = arith.mulf %parallel_loop3A_320, %parallel_loop3A_317 : vector<16xf32>
        %parallel_loop3A_322 = arith.constant 256 : i32
        %parallel_loop3A_323 = arith.muli %parallel_loop3A_134, %parallel_loop3A_322 : i32
        %parallel_loop3A_324 = arith.constant 112 : i32
        %parallel_loop3A_325 = arith.addi %parallel_loop3A_323, %parallel_loop3A_324 : i32
        %parallel_loop3A_326 = arith.index_cast %parallel_loop3A_325 : i32 to index
        %parallel_loop3A_327 = tpu.vector_load %arg18[%parallel_loop3A_326] {strides = array<i32>} : memref<16384xf32, #tpu.memory_space<vmem>>, vector<16xf32>,
        tpu.vector_store %arg18[%parallel_loop3A_326], %parallel_loop3A_321 {strides = array<i32>} : memref<16384xf32, #tpu.memory_space<vmem>>, vector<16xf32>,
        %parallel_loop3A_328 = arith.constant 1.000000e+00 : f32
        %parallel_loop3A_329 = vector.broadcast %parallel_loop3A_328 : f32 to vector<16xf32>
        %parallel_loop3A_330 = arith.subf %parallel_loop3A_329, %parallel_loop3A_321 : vector<16xf32>
        %parallel_loop3A_331 = arith.constant 128 : i32
        %parallel_loop3A_332 = arith.addi %parallel_loop3A_325, %parallel_loop3A_331 : i32
        %parallel_loop3A_333 = arith.index_cast %parallel_loop3A_332 : i32 to index
        %parallel_loop3A_334 = tpu.vector_load %arg18[%parallel_loop3A_333] {strides = array<i32>} : memref<16384xf32, #tpu.memory_space<vmem>>, vector<16xf32>,
        tpu.vector_store %arg18[%parallel_loop3A_333], %parallel_loop3A_330 {strides = array<i32>} : memref<16384xf32, #tpu.memory_space<vmem>>, vector<16xf32>,
      } {sc.loop_unroll_factor = 4 : i64, sc.parallel_access}
      %mul3A_125 = arith.constant 2 : i32
      %mul3A_126 = arith.muli %mul3A_125, %add3A_108 : i32
      %dma_start3A_127 = tpu.memref_slice %arg7[%mul3A_126] : memref<4194304xf32, #tpu.memory_space<hbm>> -> memref<16384xf32, #tpu.memory_space<hbm>>
      %dma_start3A_128 = tpu.memref_slice %arg7[%mul3A_126] : memref<4194304xf32, #tpu.memory_space<hbm>> -> memref<16384xf32, #tpu.memory_space<hbm>>
      tpu.enqueue_dma source(%arg18 : memref<16384xf32, #tpu.memory_space<vmem>>) target(%dma_start3A_128 : memref<16384xf32, #tpu.memory_space<hbm>>) target_semaphore(%arg24 : memref<!tpu.dma_semaphore, #tpu.memory_space<semaphore_mem>>)
      %lt3A_129 = arith.constant 3 : i32
      %lt3A_130 = arith.cmpi slt, %scan3A_74, %lt3A_129 : i32
      %convert_element_type3A_131 = arith.extui %lt3A_130 : i1 to i32
      %cond3A_132 = arith.constant 0 : i32
      %cond3A_133 = arith.cmpi ne, %convert_element_type3A_131, %cond3A_132 : i32
      scf.if %cond3A_133 {
        %add3A_134 = arith.constant 16384 : i32
        %add3A_135 = arith.addi %add3A_108, %add3A_134 : i32
        %dma_start3A_136 = tpu.memref_slice %arg2[%add3A_135] : memref<2097152xf32, #tpu.memory_space<hbm>> -> memref<8192xf32, #tpu.memory_space<hbm>>
        %dma_start3A_137 = tpu.memref_slice %arg2[%add3A_135] : memref<2097152xf32, #tpu.memory_space<hbm>> -> memref<8192xf32, #tpu.memory_space<hbm>>
        tpu.enqueue_dma source(%dma_start3A_137 : memref<8192xf32, #tpu.memory_space<hbm>>) target(%arg14 : memref<8192xf32, #tpu.memory_space<vmem>>) target_semaphore(%arg20 : memref<!tpu.dma_semaphore, #tpu.memory_space<semaphore_mem>>)
        %dma_start3A_138 = tpu.memref_slice %arg3[%add3A_135] : memref<2097152xi32, #tpu.memory_space<hbm>> -> memref<8192xi32, #tpu.memory_space<hbm>>
        %dma_start3A_139 = tpu.memref_slice %arg3[%add3A_135] : memref<2097152xi32, #tpu.memory_space<hbm>> -> memref<8192xi32, #tpu.memory_space<hbm>>
        tpu.enqueue_dma source(%dma_start3A_139 : memref<8192xi32, #tpu.memory_space<hbm>>) target(%arg16 : memref<8192xi32, #tpu.memory_space<vmem>>) target_semaphore(%arg22 : memref<!tpu.dma_semaphore, #tpu.memory_space<semaphore_mem>>)
      } else {
      }
    }
    %scan3A_66 = arith.constant 4 : i32
    %dma_wait3A = arith.constant 0 : i32
    %dma_wait3A_67 = tpu.memref_slice %arg7[%dma_wait3A] : memref<4194304xf32, #tpu.memory_space<hbm>> -> memref<16384xf32, #tpu.memory_space<hbm>>
    %dma_wait3A_68 = arith.constant 0 : i32
    %dma_wait3A_69 = tpu.memref_slice %arg7[%dma_wait3A_68] : memref<4194304xf32, #tpu.memory_space<hbm>> -> memref<16384xf32, #tpu.memory_space<hbm>>
    tpu.wait_dma2 semaphore(%arg23 : memref<!tpu.dma_semaphore, #tpu.memory_space<semaphore_mem>>) src(%arg17 : memref<16384xf32, #tpu.memory_space<vmem>>) dst(%dma_wait3A_69 : memref<16384xf32, #tpu.memory_space<hbm>>)
    %dma_wait3A_70 = arith.constant 0 : i32
    %dma_wait3A_71 = tpu.memref_slice %arg7[%dma_wait3A_70] : memref<4194304xf32, #tpu.memory_space<hbm>> -> memref<16384xf32, #tpu.memory_space<hbm>>
    %dma_wait3A_72 = arith.constant 0 : i32
    %dma_wait3A_73 = tpu.memref_slice %arg7[%dma_wait3A_72] : memref<4194304xf32, #tpu.memory_space<hbm>> -> memref<16384xf32, #tpu.memory_space<hbm>>
    tpu.wait_dma2 semaphore(%arg24 : memref<!tpu.dma_semaphore, #tpu.memory_space<semaphore_mem>>) src(%arg18 : memref<16384xf32, #tpu.memory_space<vmem>>) dst(%dma_wait3A_73 : memref<16384xf32, #tpu.memory_space<hbm>>)
    return
  }
}

</mosaic_0001>

<sc_bundles>
// kernel: kernel.3.cloned.1.call-start
scs
__scs_entry_jumppad:
0x0: {  	(pc) =	sbr.rel $0x88, $3  }
0x1: {  	(tag) =	ssettag $0x0;
	lr =	simm.s32 $0x1  }
0x2: {  	[smem:$0x3F9D] =	sst lr;
	_ =	strace $0xD0000000  }
0x3: {  	_ = 	snop  }
0x4: {  	_ = 	snop  }
0x5: {  	_ = 	snop  }
0x6: {  	_ = 	snop  }
0x7: {  	_ = 	snop  }
__scs_overlays_trampoline_lowered:
0x8: {  	[smem:$0x3FAC] =	sst s0  }
0x9: {  	[smem:$0x3FAD] =	sst s1  }
0xa: {  	[smem:$0x3FAE] =	sst s2  }
0xb: {  	[smem:$0x3FAF] =	sst s3  }
0xc: {  	[smem:$0x3FB0] =	sst s4  }
0xd: {  	[smem:$0x3FB1] =	sst s5  }
0xe: {  	[smem:$0x3FB2] =	sst s6  }
0xf: {  	[smem:$0x3FB3] =	sst s7  }
0x10: {  	[smem:$0x3FB4] =	sst s8  }
0x11: {  	[smem:$0x3FB5] =	sst s9;
	s0 =	simm.s32 @!p0 $0x0  }
0x12: {  	s1 =	sld [smem:$0x3F9B];
	s0 =	simm.s32 @p0 $0x1  }
0x13: {  	[smem:$0x3FB6] =	sst s0;
	s0 =	simm.s32 @!p1 $0x0  }
0x14: {  	s2 =	sld [smem:$0x3F9A];
	s0 =	simm.s32 @p1 $0x1  }
0x15: {  	[smem:$0x3FB7] =	sst s0;
	s0 =	simm.s32 @!p2 $0x0  }
0x16: {  	s3 =	sld [smem:$0x3FDB];
	s0 =	simm.s32 @p2 $0x1  }
0x17: {  	s4 =	simm.s32 $0x1BF5;
	[smem:$0x3FB9] =	sst s0  }
0x18: {  	s0 =	sld [smem:$0x3F9C];
	_ =	swait.ge [sflag:s4], $0x0  }
0x19: {  	s7 =	sld [smem:$0x3F9D]  }
0x1a: {  	s8 =	sadd.s32 $0xFFFFE003, lr  }
0x1b: {  	s9 =	sadd.s32 $0xFFFFFEF7, lr;
	s5 =	simm.s32 $0xFFFFFFFF;
	p2 =	slt.u32 s8, $0xFFFFF086  }
0x1c: {  	p1 =	slt.u32 s9, $0xF7A;
	s5 =	simm.s32 @!p2 $0x0  }
0x1d: {  	s5 =	simm.s32 @p1 $0x1;
	p0 =	seq.s32 s7, s2  }
0x1e: {  	s7 =	smul.u32 @!p0 $0xF7A, s2;
	p2 =	seq.s32 @!p0 s5, $0x0  }
0x1f: {  	s9 =	smul.u32 $0xF7A, s1;
	s8 =	simm.s32 @!p0 $0x1BF5;
	p2 =	por !p2, p0  }
0x20: {  	[sflag:s8] =	ssyncset.s32 @!p0 $0xFFFFF086;
	s6 =	sadd.s32 @!p0 s3, s7;
	s7 =	simm.s32 @!p0 $0x108  }
0x21: {  	s3 =	sadd.s32 s3, s9;
	s6 =	sadd.s32 @!p0 $0x88, s6;
	s7 =	simm.s32 @p2 $0x1082  }
0x22: {  	[simem:s7], [sflag:s8] =	dma.local @!p0 [hbm:s6], $0xF7A  }
0x23: {  	s9 =	sor.u32 $0xD0000000, s2;
	s6 =	simm.s32 $0x108;
	_ =	swait.ge @!p0 [sflag:s8], $0x0  }
0x24: {  	s3 =	sadd.s32 $0x88, s3;
	s6 =	simm.s32 @!p1 $0x1082;
	[sflag:s4] =	ssyncset.s32 $0xFFFFF086  }
0x25: {  	[simem:s6], [sflag:s4] =	dma.local [hbm:s3], $0xF7A  }
0x26: {  	[smem:$0x3F9D] =	sst s1;
	(tag) =	ssettag s2;
	_ =	strace s9  }
0x27: {  	s1 =	sld [smem:$0x3FAD]  }
0x28: {  	s2 =	sld [smem:$0x3FAE]  }
0x29: {  	s4 =	sld [smem:$0x3FB0]  }
0x2a: {  	p0 =	seq.s32 s5, $0x0;
	s5 =	sld [smem:$0x3FB1]  }
0x2b: {  	s6 =	sld [smem:$0x3FB2]  }
0x2c: {  	s7 =	sld [smem:$0x3FB3]  }
0x2d: {  	s3 =	simm.s32 $0x108;
	s8 =	sld [smem:$0x3FB4]  }
0x2e: {  	s3 =	simm.s32 @!p0 $0x1082;
	s9 =	sld [smem:$0x3FB5]  }
0x2f: {  	lr =	sadd.s32 s0, s3;
	s0 =	sld [smem:$0x3FAC]  }
0x30: {  	s3 =	sld [smem:$0x3FAF]  }
0x31: {  	[smem:$0x3FB8] =	sst s10  }
0x32: {  	s10 =	sld [smem:$0x3FB6];
	_ =	sdelay $0x3  }
0x33: {  	p0 =	seq.s32 s10, $0x1;
	s10 =	sld [smem:$0x3FB8];
	_ =	sdelay $0x3  }
0x34: {  	[smem:$0x3FB8] =	sst s10  }
0x35: {  	s10 =	sld [smem:$0x3FB7];
	_ =	sdelay $0x3  }
0x36: {  	p1 =	seq.s32 s10, $0x1;
	s10 =	sld [smem:$0x3FB8];
	_ =	sdelay $0x3  }
0x37: {  	[smem:$0x3FB8] =	sst s10  }
0x38: {  	s10 =	sld [smem:$0x3FB9]  }
0x39: {  	_ = 	snop;
	(pc) =	sbr.ind lr, $3  }
0x3a: {  	_ = 	snop  }
0x3b: {  	_ = 	snop  }
0x3c: {  	p2 =	seq.s32 s10, $0x1;
	s10 =	sld [smem:$0x3FB8]  }
0x3d: {  	_ =	shalt  }
0x3e: {  	_ =	shalt  }
0x3f: {  	_ =	shalt  }
0x40: {  	_ =	shalt  }
0x41: {  	_ =	shalt  }
0x42: {  	_ =	shalt  }
0x43: {  	_ =	shalt  }
0x44: {  	_ =	shalt  }
0x45: {  	_ =	shalt  }
0x46: {  	_ =	shalt  }
0x47: {  	_ =	shalt  }
0x48: {  	_ =	shalt  }
0x49: {  	_ =	shalt  }
0x4a: {  	_ =	shalt  }
0x4b: {  	_ =	shalt  }
0x4c: {  	_ =	shalt  }
0x4d: {  	_ =	shalt  }
0x4e: {  	_ =	shalt  }
0x4f: {  	_ =	shalt  }
0x50: {  	_ =	shalt  }
0x51: {  	_ =	shalt  }
0x52: {  	_ =	shalt  }
0x53: {  	_ =	shalt  }
0x54: {  	_ =	shalt  }
0x55: {  	_ =	shalt  }
0x56: {  	_ =	shalt  }
0x57: {  	_ =	shalt  }
0x58: {  	_ =	shalt  }
0x59: {  	_ =	shalt  }
0x5a: {  	_ =	shalt  }
0x5b: {  	_ =	shalt  }
0x5c: {  	_ =	shalt  }
0x5d: {  	_ =	shalt  }
0x5e: {  	_ =	shalt  }
0x5f: {  	_ =	shalt  }
0x60: {  	_ =	shalt  }
0x61: {  	_ =	shalt  }
0x62: {  	_ =	shalt  }
0x63: {  	_ =	shalt  }
0x64: {  	_ =	shalt  }
0x65: {  	_ =	shalt  }
0x66: {  	_ =	shalt  }
0x67: {  	_ =	shalt  }
0x68: {  	_ =	shalt  }
0x69: {  	_ =	shalt  }
0x6a: {  	_ =	shalt  }
0x6b: {  	_ =	shalt  }
0x6c: {  	_ =	shalt  }
0x6d: {  	_ =	shalt  }
0x6e: {  	_ =	shalt  }
0x6f: {  	_ =	shalt  }
0x70: {  	_ =	shalt  }
0x71: {  	_ =	shalt  }
0x72: {  	_ =	shalt  }
0x73: {  	_ =	shalt  }
0x74: {  	_ =	shalt  }
0x75: {  	_ =	shalt  }
0x76: {  	_ =	shalt  }
0x77: {  	_ =	shalt  }
0x78: {  	_ =	shalt  }
0x79: {  	_ =	shalt  }
0x7a: {  	_ =	shalt  }
0x7b: {  	_ =	shalt  }
0x7c: {  	_ =	shalt  }
0x7d: {  	_ =	shalt  }
0x7e: {  	_ =	shalt  }
0x7f: {  	_ =	shalt  }
0x80: {  	_ =	shalt  }
0x81: {  	_ =	shalt  }
0x82: {  	_ =	shalt  }
0x83: {  	_ =	shalt  }
0x84: {  	_ =	shalt  }
0x85: {  	_ =	shalt  }
0x86: {  	_ =	shalt  }
0x87: {  	_ =	shalt  }
.Lfunc_end0:
.L_simem_size_0:
called_computation_lowered:
.L_overlay_start_0:
0x88: {  	s2 =	sld [smem:$0x3FD9]  }
0x89: {  	s3 =	sld [smem:$0x3FFE];
	_ =	sdelay $0x1  }
0x8a: {  	s1 =	srdreg.scid  }
0x8b: {  	s0 =	sand.u32 $0x1, s1  }
0x8c: {  	s17 =	sshll.u32 s0, $0xA;
	s2 =	sadd.s32 s3, s2  }
0x8d: {  	s2 =	sadd.s32 s2, s17  }
0x8e: {  	[smem:$0x3FC4] =	sst s2  }
0x8f: {  	_ = 	snop  }
0x90: {  	s2 =	sld [smem:$0x3FC9]  }
0x91: {  	s18 =	sld [smem:$0x3FC8]  }
0x92: {  	s4 =	sld [smem:$0x3FC7]  }
0x93: {  	s5 =	sld [smem:$0x3FD0];
	(tm) =	ssettm $0x1  }
0x94: {  	s6 =	sld [smem:$0x3FFB];
	_ =	sdelay $0x3  }
0x95: {  	_ =	strace s6  }
0x96: {  	s6 =	sld [smem:$0x3FFC];
	_ =	sdelay $0x3  }
0x97: {  	_ =	strace s6  }
0x98: {  	s6 =	sld [smem:$0x3FFD];
	_ =	sdelay $0x3  }
0x99: {  	_ =	strace s6  }
0x9a: {  	_ =	strace $0x8FFFFFFF  }
0x9b: {  	s19 =	sld [smem:$0x3FDB];
	_ =	sdelay $0x1  }
0x9c: {  	s7 =	simm.s32 $_scs_section_size  }
0x9d: {  	s8 =	simm.s32 $_size__tile_overlayer_lowered;
	s9 =	simm.s32 $_tile_overlayer_lowered  }
0x9e: {  	s22 =	simm.s32 $0x1BFF;
	s21 =	sshll.u32 s9, $0x1;
	s6 =	sadd.s32 s7, s19  }
0x9f: {  	s10 =	simm.s32 $0x0;
	s20 =	sshll.u32 s8, $0x1;
	s8 =	sadd.s32 s21, s6  }
0xa0: {  	[timem:s10], [sflag:s22] =	dma.local [hbm:s8], s20  }
0xa1: {  	_ =	swait.ge [sflag:s22], s20  }
0xa2: {  	s7 =	ssub.s32 $0x0, s20;
	[sflag:s22] =	ssyncset.done $0x0  }
0xa3: {  	[sflag:s22] =	ssyncadd.s32 s7;
	_ =	sdelay $0x1  }
0xa4: {  	s23 =	simm.s32 $0x1B8B  }
0xa5: {  	_ =	swait.ge [sflag:s23], $0x1  }
0xa6: {  	[sflag:s23] =	ssyncset.done $0x0  }
0xa7: {  	s25 =	simm.s32 $0x1B8E;
	s24 =	sld [smem:$0x3FFE];
	[sflag:s23] =	ssyncadd.s32 $0xFFFFFFFF  }
0xa8: {  	s26 =	simm.s32 $execute0_lowered;
	[smem:$0x3FD2] =	sst s25  }
0xa9: {  	s8 =	sshll.u32 s26, $0x1;
	_ =	strace $0x80000046;
	[dreg:$0x1] =	wrdreg $0xFFFFFFFF  }
0xaa: {  	s28 =	simm.s32 $_size_execute0_lowered;
	s6 =	sadd.s32 s6, s8;
	[dreg:$0x0] =	wrdreg $0x0  }
0xab: {  	s8 =	sshll.u32 s28, $0x1;
	[dreg:$0x2] =	wrdreg s6  }
0xac: {  	[dreg:$0x3] =	wrdreg s8  }
0xad: {  	[dreg:$0x4] =	wrdreg $0xC0  }
0xae: {  	_ =	task [dreg:s10], $0x5FFFF  }
0xaf: {  	[dreg:$0x1] =	wrdreg $0xFFFFFFFF  }
0xb0: {  	[dreg:$0x0] =	wrdreg $0x60  }
0xb1: {  	[dreg:$0x2] =	wrdreg s2  }
0xb2: {  	[dreg:$0x3] =	wrdreg s18  }
0xb3: {  	[dreg:$0x4] =	wrdreg s4  }
0xb4: {  	[dreg:$0x5] =	wrdreg s24  }
0xb5: {  	[dreg:$0x6] =	wrdreg s5  }
0xb6: {  	[dreg:$0x7] =	wrdreg $0x9  }
0xb7: {  	_ =	task.clear_ibuf [dreg:s10], $0x8FFFF;
	_ =	strace $0x90000046  }
0xb8: {  	s29 =	simm.s32 $0x9;
	_ =	strace $0x80000048  }
0xb9: {  	_ =	swait.ge [sflag:s29], $0x1  }
0xba: {  	[sflag:s29] =	ssyncadd.s32 $0xFFFFFFFF  }
0xbb: {  	_ =	strace $0x90000048  }
0xbc: {  	_ =	sfence  }
0xbd: {  	s30 =	sld [smem:$0x0];
	_ =	sdelay $0x2  }
0xbe: {  	s31 =	sshll.u32 s1, $0xD;
	s1 =	sshrl.u32 s1, $0x2  }
0xbf: {  	s3 =	sand.u32 $0x4000, s31;
	s1 =	sadd.s32 s1, s30  }
0xc0: {  	s0 =	sor.u32 s3, s0;
	s1 =	sshll.u32 s1, $0x11  }
0xc1: {  	s0 =	sor.u32 s1, s0  }
0xc2: {  	s0 =	sadd.s32 $0x8F2B, s0  }
0xc3: {  	[sflag:s0] =	ssyncadd.remote.s32 $0x1  }
0xc4: {  	_ =	sfence.sel $0xFFFF  }
0xc5: {  	[dreg:$0x0] =	wrdreg $0xFFFFFFFF;
	(pc) =	sbr.abs _section_cstart, $3  }
0xc6: {  	[dreg:$0x1] =	wrdreg $0xFFFFFFFF  }
0xc7: {  	_ =	task.clear_ibuf [dreg:s10], $0x2FFFF;
	_ =	strace $0x9FFFFFFF  }
0xc8: {  	(tm) =	ssettm $0x7FFFFFFF  }
0xc9: {  	_ =	shalt  }
tec
execute0_lowered:
.L_overlay_start_1:
0x0: {  	(tag) =	ssettag $0x1  }
0x1: {  	s1 =	rddreg [dreg:$0x0]  }
0x2: {  	s2 =	rddreg [dreg:$0x1]  }
0x3: {  	s0 =	rddreg [dreg:$0x3]  }
0x4: {  	s4 =	rddreg [dreg:$0x4]  }
0x5: {  	s6 =	simm.s32 $0x0;
	s3 =	srdreg.scid;
	s7 =	stileid.u32  }
0x6: {  	s19 =	simm.s32 $0x2280;
	s20 =	simm.s32 $0x6280;
	s21 =	simm.s32 $0x5  }
0x7: {  	s22 =	simm.s32 $0x6;
	s28 =	simm.s32 $0x200;
	s29 =	simm.s32 $0x8280  }
0x8: {  	s30 =	simm.s32 $0x2;
	s31 =	simm.s32 $0x4;
	[smem:$0x7FF] =	sst s6  }
0x9: {  	s3 =	sand.u32 $0x1, s3;
	s7 =	sshll.u32 s7, $0x11;
	s8 =	sadd.s32 $0x800, s0  }
0xa: {  	s0 =	sadd.s32 $0x600, s0;
	_ =	strace $0x80000047;
	[dreg:$0x6] =	wrdreg s8  }
0xb: {  	s5 =	ssub.s32 $0x2, s3;
	s3 =	sshll.u32 s3, $0x10;
	[dreg:$0x7] =	wrdreg s0  }
0xc: {  	s0 =	simm.s32 $0xC280;
	s9 =	sshrl.u32 s5, $0x1;
	s8 =	sor.u32 s3, s7  }
0xd: {  	s23 =	ssub.s32 s5, s9;
	s3 =	sshrl.u32 s8, $0x3;
	s5 =	simm.s32 $0x0  }
.Ltmp0:
0xe: {  	s24 =	sadd.s32 s1, s3;
	s25 =	sadd.s32 s2, s3;
	(pc) =	sbr.rel .LBB2_1-.Ltmp0, $4  }
0xf: {  	s3 =	sor.u32 $0x400, s3;
	s14 =	smax.u32 s23, $0x1;
	[dreg:$0x8] =	wrdreg s24  }
0x10: {  	s23 =	simm.s32 $0x7;
	[dreg:$0x9] =	wrdreg s25;
	s26 =	sadd.s32 s1, s3  }
0x11: {  	s3 =	sadd.s32 s2, s3;
	s24 =	simm.s32 $0x1;
	[dreg:$0xa] =	wrdreg s26  }
0x12: {  	s25 =	simm.s32 $0x3;
	[dreg:$0xb] =	wrdreg s3;
	s26 =	simm.s32 $0x180  }
.LBB2_8:
0x13: {  	s5 =	sadd.s32 $0x1, s5  }
0x14: {  	_ =	swait.ge [sflag:s21], $0x4000;
	p0 =	sne.s32 s5, s14  }
.Ltmp1:
0x15: {  	[sflag:s21] =	ssyncset.done $0x0;
	(pc) =	sbr.rel @!p0 .LBB2_9-.Ltmp1, $4  }
0x16: {  	[sflag:s21] =	ssyncadd.s32 $0xFFFFC000  }
0x17: {  	_ =	swait.ge [sflag:s22], $0x4000  }
0x18: {  	[sflag:s22] =	ssyncset.done $0x0  }
0x19: {  	[sflag:s22] =	ssyncadd.s32 $0xFFFFC000  }
.LBB2_1:
0x1a: {  	s3 =	rddreg [dreg:$0x2]  }
0x1b: {  	[tilespmem:s6], [sflag:$0x5] =	stream.linear.gather [hbm4b:s3+s6], $0x80, $0x38;
	[tilespmem:$0x10280] =	vst v63  }
0x1c: {  	s9 =	rddreg [dreg:$0x6];
	s7 =	simm.s32 $0x80  }
0x1d: {  	[tilespmem:s7], [sflag:$0x6] =	stream.linear.gather [hbm4b:s9+s6], $0x80, $0x38;
	[tilespmem:$0x10280] =	vst v63  }
0x1e: {  	s10 =	rddreg [dreg:$0x7];
	s11 =	simm.s32 $0x100  }
0x1f: {  	[tilespmem:s11], [sflag:$0x7] =	stream.linear.gather [hbm4b:s10+s6], $0x80, $0x38;
	[tilespmem:$0x10280] =	vst v63  }
0x20: {  	s12 =	rddreg [dreg:$0x8];
	s13 =	simm.s32 $0x280  }
0x21: {  	[tilespmem:s13], [sflag:$0x1] =	stream.linear.gather [hbm4b:s12+s6], $0x2000, $0x38;
	[tilespmem:$0x10280] =	vst v63  }
0x22: {  	s15 =	rddreg [dreg:$0x9];
	s16 =	simm.s32 $0x4280  }
0x23: {  	[tilespmem:s16], [sflag:$0x3] =	stream.linear.gather [hbm4b:s15+s6], $0x2000, $0x38;
	[tilespmem:$0x10280] =	vst v63  }
0x24: {  	s17 =	rddreg [dreg:$0xa]  }
0x25: {  	[tilespmem:s19], [sflag:$0x2] =	stream.linear.gather [hbm4b:s17+s6], $0x2000, $0x38;
	[tilespmem:$0x10280] =	vst v63  }
0x26: {  	s18 =	rddreg [dreg:$0xb]  }
0x27: {  	[tilespmem:s20], [sflag:$0x4] =	stream.linear.gather [hbm4b:s18+s6], $0x2000, $0x38;
	[tilespmem:$0x10280] =	vst v63  }
0x28: {  	_ =	swait.ge [sflag:s21], $0x80  }
0x29: {  	[sflag:s21] =	ssyncset.done $0x0  }
0x2a: {  	[sflag:s21] =	ssyncadd.s32 $0xFFFFFF80  }
0x2b: {  	_ =	swait.ge [sflag:s22], $0x80  }
0x2c: {  	[sflag:s22] =	ssyncset.done $0x0  }
0x2d: {  	[sflag:s22] =	ssyncadd.s32 $0xFFFFFF80  }
0x2e: {  	_ =	swait.ge [sflag:s23], $0x80  }
0x2f: {  	[sflag:s23] =	ssyncset.done $0x0  }
0x30: {  	[sflag:s23] =	ssyncadd.s32 $0xFFFFFF80  }
0x31: {  	v0 =	vld [tilespmem:$0x80]  }
0x32: {  	v1 =	vld [tilespmem:$0x100];
	_ =	sdelay $0x6  }
0x33: {  	v0 =	vld.idx.msk [tilespmem:v0+s6+$0x0], $0xffff  }
0x34: {  	v1 =	vld.idx.msk [tilespmem:v1+s6+$0x0], $0xffff;
	_ =	sdelay $0x4  }
0x35: {  	v0 =	vsub.f32 v0, v1;
	_ =	sdelay $0x1  }
0x36: {  	(erf) = vrcp.f32 v0;
	_ =	sdelay $0x2  }
0x37: {  	v56 =	vld [tilespmem:$0x90]  }
0x38: {  	v2 =	vld [tilespmem:$0x110];
	_ =	sdelay $0x4  }
0x39: {  	[tilespmem:$0x180] =	vst v1;
	v57 =	vpop (erf)  }
0x3a: {  	[tilespmem:$0x200] =	vst v57  }
0x3b: {  	v0 =	vld.idx.msk [tilespmem:v56+s6+$0x0], $0xffff  }
0x3c: {  	v1 =	vld.idx.msk [tilespmem:v2+s6+$0x0], $0xffff;
	_ =	sdelay $0x4  }
0x3d: {  	v0 =	vsub.f32 v0, v1;
	_ =	sdelay $0x1  }
0x3e: {  	(erf) = vrcp.f32 v0;
	_ =	sdelay $0x2  }
0x3f: {  	v58 =	vld [tilespmem:$0xA0]  }
0x40: {  	v59 =	vld [tilespmem:$0x120];
	_ =	sdelay $0x4  }
0x41: {  	[tilespmem:$0x190] =	vst v1;
	v60 =	vpop (erf)  }
0x42: {  	[tilespmem:$0x210] =	vst v60  }
0x43: {  	v0 =	vld.idx.msk [tilespmem:v58+s6+$0x0], $0xffff  }
0x44: {  	v1 =	vld.idx.msk [tilespmem:v59+s6+$0x0], $0xffff;
	_ =	sdelay $0x4  }
0x45: {  	v0 =	vsub.f32 v0, v1;
	_ =	sdelay $0x1  }
0x46: {  	(erf) = vrcp.f32 v0;
	_ =	sdelay $0x2  }
0x47: {  	v61 =	vld [tilespmem:$0xB0]  }
0x48: {  	v62 =	vld [tilespmem:$0x130];
	_ =	sdelay $0x4  }
0x49: {  	[tilespmem:$0x1A0] =	vst v1;
	v63 =	vpop (erf)  }
0x4a: {  	[tilespmem:$0x220] =	vst v63  }
0x4b: {  	v0 =	vld.idx.msk [tilespmem:v61+s6+$0x0], $0xffff  }
0x4c: {  	v1 =	vld.idx.msk [tilespmem:v62+s6+$0x0], $0xffff;
	_ =	sdelay $0x4  }
0x4d: {  	v0 =	vsub.f32 v0, v1;
	_ =	sdelay $0x1  }
0x4e: {  	(erf) = vrcp.f32 v0;
	_ =	sdelay $0x8  }
0x4f: {  	[tilespmem:$0x1B0] =	vst v1;
	v0 =	vpop (erf)  }
0x50: {  	s3 =	simm.s32 $0x0;
	[tilespmem:$0x230] =	vst v0  }
.LBB2_2:
0x51: {  	_ =	swait.ge [sflag:s24], $0x2000  }
0x52: {  	[sflag:s24] =	ssyncset.done $0x0  }
0x53: {  	[sflag:s24] =	ssyncadd.s32 $0xFFFFE000  }
0x54: {  	_ =	swait.ge [sflag:s25], $0x2000  }
0x55: {  	p0 =	seq.s32 s3, $0x0;
	[sflag:s25] =	ssyncset.done $0x0  }
0x56: {  	s7 =	simm.s32 @!p0 $0x5;
	[sflag:s25] =	ssyncadd.s32 $0xFFFFE000  }
0x57: {  	_ =	swait.ge @!p0 [sflag:s7], $0x4000  }
0x58: {  	[sflag:s7] =	ssyncset.done @!p0 $0x0  }
0x59: {  	s10 =	simm.s32 $0x4380;
	[sflag:s7] =	ssyncadd.s32 @!p0 $0xFFFFC000  }
0x5a: {  	v0 =	vld [tilespmem:s10+$0x80];
	_ =	sdelay $0x4  }
0x5b: {  	s9 =	simm.s32 $0x380;
	v1 =	vld [tilespmem:s10+$0xFFFFFF80]  }
0x5c: {  	v3 =	vld [tilespmem:s9+$0x80]  }
0x5d: {  	v5 =	vld [tilespmem:s10+$0x0]  }
0x5e: {  	v4 =	vld.idx.msk [tilespmem:v0+s26+$0x0], $0xffff  }
0x5f: {  	v2 =	vld [tilespmem:s10+$0xFFFFFF00]  }
0x60: {  	v0 =	vld.idx.msk [tilespmem:v0+s28+$0x0], $0xffff;
	_ =	sdelay $0x2  }
0x61: {  	v8 =	vld [tilespmem:s9+$0xFFFFFF80];
	v3 =	vsub.f32 v3, v4  }
0x62: {  	v9 =	vld [tilespmem:s9+$0x0]  }
0x63: {  	v7 =	vld.idx.msk [tilespmem:v5+s26+$0x0], $0xffff;
	v0 =	vmul.f32 v3, v0  }
0x64: {  	v4 =	vld.idx.msk [tilespmem:v1+s26+$0x0], $0xffff  }
0x65: {  	s16 =	simm.s32 $0x8480;
	v3 =	vld.idx.msk [tilespmem:v2+s26+$0x0], $0xffff;
	v6 =	vsub.f32 $1.000000000e+00, v0  }
0x66: {  	[tilespmem:s16+$0x100] =	vst v0;
	v0 =	vld [tilespmem:s9+$0xFFFFFF00]  }
0x67: {  	v2 =	vld.idx.msk [tilespmem:v2+s28+$0x0], $0xffff;
	[tilespmem:s16+$0x180] =	vst v6  }
0x68: {  	v6 =	vld [tilespmem:s10+$0x90]  }
0x69: {  	v5 =	vld.idx.msk [tilespmem:v5+s28+$0x0], $0xffff  }
0x6a: {  	v1 =	vld.idx.msk [tilespmem:v1+s28+$0x0], $0xffff  }
0x6b: {  	v0 =	vsub.f32 v0, v3;
	_ =	sdelay $0x1  }
0x6c: {  	v3 =	vsub.f32 v8, v4;
	v4 =	vsub.f32 v9, v7;
	v0 =	vmul.f32 v0, v2;
	_ =	sdelay $0x1  }
0x6d: {  	v1 =	vmul.f32 v3, v1;
	v3 =	vld [tilespmem:s9+$0x90];
	v4 =	vmul.f32 v4, v5;
	[tilespmem:s16+$0xFFFFFE00] =	vst v0;
	v0 =	vsub.f32 $1.000000000e+00, v0  }
0x6e: {  	v2 =	vld.idx.msk [tilespmem:v6+s26+$0x0], $0xffff  }
0x6f: {  	[tilespmem:s16+$0xFFFFFE80] =	vst v0;
	v0 =	vsub.f32 $1.000000000e+00, v4  }
0x70: {  	[tilespmem:s16+$0xFFFFFF00] =	vst v1;
	v5 =	vld.idx.msk [tilespmem:v6+s28+$0x0], $0xffff  }
0x71: {  	v1 =	vsub.f32 $1.000000000e+00, v1;
	[tilespmem:s16+$0x80] =	vst v0;
	v0 =	vld [tilespmem:s10+$0xFFFFFF10];
	_ =	sdelay $0x1  }
0x72: {  	[tilespmem:s16+$0xFFFFFF80] =	vst v1;
	v1 =	vsub.f32 v3, v2  }
0x73: {  	[tilespmem:s16+$0x0] =	vst v4;
	v2 =	vld [tilespmem:s10+$0xFFFFFF90]  }
0x74: {  	v3 =	vld [tilespmem:s10+$0x10];
	v1 =	vmul.f32 v1, v5  }
0x75: {  	v4 =	vld [tilespmem:s9+$0xFFFFFF10]  }
0x76: {  	v6 =	vld [tilespmem:s9+$0xFFFFFF90];
	v5 =	vsub.f32 $1.000000000e+00, v1  }
0x77: {  	[tilespmem:s16+$0x110] =	vst v1;
	v1 =	vld [tilespmem:s9+$0x10]  }
0x78: {  	v7 =	vld.idx.msk [tilespmem:v0+s26+$0x0], $0xffff;
	[tilespmem:s16+$0x190] =	vst v5  }
0x79: {  	v5 =	vld [tilespmem:s10+$0xA0]  }
0x7a: {  	v0 =	vld.idx.msk [tilespmem:v0+s28+$0x0], $0xffff  }
0x7b: {  	v8 =	vld.idx.msk [tilespmem:v2+s26+$0x0], $0xffff  }
0x7c: {  	v9 =	vld.idx.msk [tilespmem:v3+s26+$0x0], $0xffff  }
0x7d: {  	v2 =	vld.idx.msk [tilespmem:v2+s28+$0x0], $0xffff  }
0x7e: {  	v3 =	vld.idx.msk [tilespmem:v3+s28+$0x0], $0xffff;
	v4 =	vsub.f32 v4, v7;
	_ =	sdelay $0x1  }
0x7f: {  	v0 =	vmul.f32 v4, v0;
	v4 =	vld [tilespmem:s9+$0xA0];
	v6 =	vsub.f32 v6, v8  }
0x80: {  	v1 =	vsub.f32 v1, v9;
	v7 =	vld.idx.msk [tilespmem:v5+s26+$0x0], $0xffff  }
0x81: {  	v2 =	vmul.f32 v6, v2  }
0x82: {  	[tilespmem:s16+$0xFFFFFE10] =	vst v0;
	v0 =	vsub.f32 $1.000000000e+00, v0;
	v1 =	vmul.f32 v1, v3;
	v3 =	vld.idx.msk [tilespmem:v5+s28+$0x0], $0xffff  }
0x83: {  	[tilespmem:s16+$0xFFFFFF10] =	vst v2;
	v2 =	vsub.f32 $1.000000000e+00, v2  }
0x84: {  	[tilespmem:s16+$0xFFFFFE90] =	vst v0  }
0x85: {  	v0 =	vsub.f32 $1.000000000e+00, v1;
	[tilespmem:s16+$0xFFFFFF90] =	vst v2;
	v2 =	vsub.f32 v4, v7  }
0x86: {  	[tilespmem:s16+$0x10] =	vst v1;
	v4 =	vld [tilespmem:s10+$0xFFFFFF20]  }
0x87: {  	[tilespmem:s16+$0x90] =	vst v0;
	v0 =	vld [tilespmem:s10+$0xFFFFFFA0];
	v1 =	vmul.f32 v2, v3  }
0x88: {  	v5 =	vld [tilespmem:s9+$0xFFFFFF20]  }
0x89: {  	v6 =	vld [tilespmem:s9+$0x20];
	v3 =	vsub.f32 $1.000000000e+00, v1  }
0x8a: {  	v2 =	vld [tilespmem:s10+$0x20];
	[tilespmem:s16+$0x120] =	vst v1  }
0x8b: {  	v1 =	vld [tilespmem:s9+$0xFFFFFFA0];
	[tilespmem:s16+$0x1A0] =	vst v3  }
0x8c: {  	v3 =	vld [tilespmem:s10+$0xB0]  }
0x8d: {  	v11 =	vld [tilespmem:s9+$0xB0]  }
0x8e: {  	v7 =	vld.idx.msk [tilespmem:v4+s26+$0x0], $0xffff  }
0x8f: {  	v8 =	vld.idx.msk [tilespmem:v0+s26+$0x0], $0xffff  }
0x90: {  	v4 =	vld.idx.msk [tilespmem:v4+s28+$0x0], $0xffff  }
0x91: {  	v0 =	vld.idx.msk [tilespmem:v0+s28+$0x0], $0xffff  }
0x92: {  	v9 =	vld.idx.msk [tilespmem:v2+s26+$0x0], $0xffff  }
0x93: {  	v2 =	vld.idx.msk [tilespmem:v2+s28+$0x0], $0xffff  }
0x94: {  	v10 =	vld.idx.msk [tilespmem:v3+s26+$0x0], $0xffff  }
0x95: {  	v5 =	vsub.f32 v5, v7  }
0x96: {  	v1 =	vsub.f32 v1, v8;
	v3 =	vld.idx.msk [tilespmem:v3+s28+$0x0], $0xffff  }
0x97: {  	v6 =	vsub.f32 v6, v9;
	v4 =	vmul.f32 v5, v4  }
0x98: {  	v0 =	vmul.f32 v1, v0  }
0x99: {  	[tilespmem:s16+$0xFFFFFE20] =	vst v4;
	v1 =	vsub.f32 $1.000000000e+00, v4;
	v2 =	vmul.f32 v6, v2;
	v4 =	vsub.f32 v11, v10  }
0x9a: {  	[tilespmem:s16+$0xFFFFFF20] =	vst v0;
	v0 =	vsub.f32 $1.000000000e+00, v0  }
0x9b: {  	[tilespmem:s16+$0xFFFFFEA0] =	vst v1;
	v1 =	vsub.f32 $1.000000000e+00, v2;
	v3 =	vmul.f32 v4, v3  }
0x9c: {  	[tilespmem:s16+$0xFFFFFFA0] =	vst v0;
	v4 =	vld [tilespmem:s10+$0xFFFFFF30]  }
0x9d: {  	v0 =	vld [tilespmem:s10+$0xFFFFFFB0];
	[tilespmem:s16+$0xA0] =	vst v1;
	v1 =	vsub.f32 $1.000000000e+00, v3  }
0x9e: {  	[tilespmem:s16+$0x130] =	vst v3  }
0x9f: {  	v5 =	vld [tilespmem:s9+$0xFFFFFFB0];
	[tilespmem:s16+$0x1B0] =	vst v1  }
0xa0: {  	[tilespmem:s16+$0x20] =	vst v2;
	v1 =	vld [tilespmem:s10+$0xC0]  }
0xa1: {  	v2 =	vld [tilespmem:s10+$0x30]  }
0xa2: {  	v6 =	vld [tilespmem:s9+$0x30]  }
0xa3: {  	v3 =	vld [tilespmem:s9+$0xFFFFFF30]  }
0xa4: {  	v7 =	vld.idx.msk [tilespmem:v4+s26+$0x0], $0xffff  }
0xa5: {  	v8 =	vld.idx.msk [tilespmem:v0+s26+$0x0], $0xffff  }
0xa6: {  	v4 =	vld.idx.msk [tilespmem:v4+s28+$0x0], $0xffff  }
0xa7: {  	v0 =	vld.idx.msk [tilespmem:v0+s28+$0x0], $0xffff  }
0xa8: {  	v9 =	vld.idx.msk [tilespmem:v1+s26+$0x0], $0xffff  }
0xa9: {  	v3 =	vsub.f32 v3, v7;
	v7 =	vld [tilespmem:s9+$0xC0]  }
0xaa: {  	v10 =	vld.idx.msk [tilespmem:v2+s26+$0x0], $0xffff  }
0xab: {  	v5 =	vsub.f32 v5, v8;
	v1 =	vld.idx.msk [tilespmem:v1+s28+$0x0], $0xffff;
	v3 =	vmul.f32 v3, v4  }
0xac: {  	v2 =	vld.idx.msk [tilespmem:v2+s28+$0x0], $0xffff  }
0xad: {  	v0 =	vmul.f32 v5, v0;
	v4 =	vsub.f32 $1.000000000e+00, v3  }
0xae: {  	[tilespmem:s16+$0xFFFFFE30] =	vst v3;
	v3 =	vsub.f32 v7, v9  }
0xaf: {  	v5 =	vsub.f32 v6, v10;
	[tilespmem:s16+$0xFFFFFEB0] =	vst v4;
	v4 =	vsub.f32 $1.000000000e+00, v0  }
0xb0: {  	[tilespmem:s16+$0xFFFFFF30] =	vst v0;
	v6 =	vld [tilespmem:s10+$0xFFFFFF40];
	v0 =	vmul.f32 v3, v1  }
0xb1: {  	v1 =	vmul.f32 v5, v2;
	[tilespmem:s16+$0xFFFFFFB0] =	vst v4  }
0xb2: {  	v2 =	vld [tilespmem:s10+$0xFFFFFFC0];
	v3 =	vsub.f32 $1.000000000e+00, v0  }
0xb3: {  	v4 =	vsub.f32 $1.000000000e+00, v1;
	[tilespmem:s16+$0x140] =	vst v0  }
0xb4: {  	v0 =	vld [tilespmem:s9+$0xFFFFFF40];
	[tilespmem:s16+$0x1C0] =	vst v3  }
0xb5: {  	[tilespmem:s16+$0xB0] =	vst v4;
	v4 =	vld [tilespmem:s9+$0xFFFFFFC0]  }
0xb6: {  	[tilespmem:s16+$0x30] =	vst v1;
	v3 =	vld [tilespmem:s10+$0xD0]  }
0xb7: {  	v1 =	vld [tilespmem:s10+$0x40]  }
0xb8: {  	v5 =	vld.idx.msk [tilespmem:v6+s26+$0x0], $0xffff  }
0xb9: {  	v6 =	vld.idx.msk [tilespmem:v6+s28+$0x0], $0xffff  }
0xba: {  	s18 =	simm.s32 $0x580;
	v7 =	vld.idx.msk [tilespmem:v2+s26+$0x0], $0xffff  }
0xbb: {  	v17 =	vld [tilespmem:s18+$0xFFFFFF00]  }
0xbc: {  	v2 =	vld.idx.msk [tilespmem:v2+s28+$0x0], $0xffff  }
0xbd: {  	v8 =	vld [tilespmem:s9+$0xD0];
	v0 =	vsub.f32 v0, v5  }
0xbe: {  	v5 =	vld.idx.msk [tilespmem:v3+s26+$0x0], $0xffff  }
0xbf: {  	v9 =	vld [tilespmem:s9+$0x40];
	v0 =	vmul.f32 v0, v6;
	v4 =	vsub.f32 v4, v7  }
0xc0: {  	v3 =	vld.idx.msk [tilespmem:v3+s28+$0x0], $0xffff  }
0xc1: {  	v6 =	vld.idx.msk [tilespmem:v1+s26+$0x0], $0xffff;
	v7 =	vsub.f32 $1.000000000e+00, v0;
	v2 =	vmul.f32 v4, v2  }
0xc2: {  	v11 =	vld [tilespmem:s18+$0x80];
	[tilespmem:s16+$0xFFFFFE40] =	vst v0  }
0xc3: {  	v0 =	vld.idx.msk [tilespmem:v1+s28+$0x0], $0xffff;
	v4 =	vsub.f32 v8, v5;
	[tilespmem:s16+$0xFFFFFEC0] =	vst v7;
	v1 =	vsub.f32 $1.000000000e+00, v2  }
0xc4: {  	[tilespmem:s16+$0xFFFFFF40] =	vst v2;
	v5 =	vld [tilespmem:s10+$0xFFFFFF50]  }
0xc5: {  	v2 =	vld [tilespmem:s9+$0xFFFFFF50];
	[tilespmem:s16+$0xFFFFFFC0] =	vst v1;
	v1 =	vmul.f32 v4, v3  }
0xc6: {  	v3 =	vsub.f32 v9, v6;
	v4 =	vld [tilespmem:s10+$0xFFFFFFD0]  }
0xc7: {  	s17 =	simm.s32 $0x4580;
	v6 =	vld [tilespmem:s9+$0xFFFFFFD0];
	v7 =	vsub.f32 $1.000000000e+00, v1  }
0xc8: {  	v0 =	vmul.f32 v3, v0;
	v3 =	vld [tilespmem:s17+$0x80];
	[tilespmem:s16+$0x150] =	vst v1  }
0xc9: {  	v1 =	vld [tilespmem:s17+$0xFFFFFF80];
	[tilespmem:s16+$0x1D0] =	vst v7  }
0xca: {  	v7 =	vsub.f32 $1.000000000e+00, v0;
	[tilespmem:s16+$0x40] =	vst v0;
	v0 =	vld [tilespmem:s17+$0x0]  }
0xcb: {  	v8 =	vld [tilespmem:s10+$0xE0]  }
0xcc: {  	v14 =	vld [tilespmem:s9+$0xE0]  }
0xcd: {  	[tilespmem:s16+$0xC0] =	vst v7;
	v7 =	vld [tilespmem:s17+$0xFFFFFF00]  }
0xce: {  	v9 =	vld [tilespmem:s10+$0x50]  }
0xcf: {  	v10 =	vld.idx.msk [tilespmem:v5+s26+$0x0], $0xffff  }
0xd0: {  	v20 =	vld [tilespmem:s9+$0x50]  }
0xd1: {  	v5 =	vld.idx.msk [tilespmem:v5+s28+$0x0], $0xffff  }
0xd2: {  	v12 =	vld.idx.msk [tilespmem:v3+s26+$0x0], $0xffff  }
0xd3: {  	v46 =	vld.idx.msk [tilespmem:v4+s26+$0x0], $0xffff  }
0xd4: {  	v3 =	vld.idx.msk [tilespmem:v3+s28+$0x0], $0xffff  }
0xd5: {  	v13 =	vld.idx.msk [tilespmem:v8+s26+$0x0], $0xffff  }
0xd6: {  	v16 =	vld.idx.msk [tilespmem:v1+s26+$0x0], $0xffff  }
0xd7: {  	v8 =	vld.idx.msk [tilespmem:v8+s28+$0x0], $0xffff;
	v11 =	vsub.f32 v11, v12  }
0xd8: {  	v1 =	vld.idx.msk [tilespmem:v1+s28+$0x0], $0xffff  }
0xd9: {  	v15 =	vld.idx.msk [tilespmem:v7+s26+$0x0], $0xffff;
	v3 =	vmul.f32 v11, v3  }
0xda: {  	v7 =	vld.idx.msk [tilespmem:v7+s28+$0x0], $0xffff;
	v11 =	vsub.f32 v14, v13  }
0xdb: {  	s7 =	simm.s32 $0x8880;
	v12 =	vld.idx.msk [tilespmem:v0+s26+$0x0], $0xffff;
	v18 =	vsub.f32 $1.000000000e+00, v3  }
0xdc: {  	v13 =	vld [tilespmem:s18+$0xFFFFFF80];
	[tilespmem:s7+$0x100] =	vst v3;
	v8 =	vmul.f32 v11, v8  }
0xdd: {  	v14 =	vld [tilespmem:s18+$0x0];
	[tilespmem:s7+$0x180] =	vst v18  }
0xde: {  	v2 =	vsub.f32 v2, v10;
	v3 =	vsub.f32 $1.000000000e+00, v8;
	[tilespmem:s16+$0x160] =	vst v8;
	v8 =	vld [tilespmem:s17+$0x90]  }
0xdf: {  	v0 =	vld.idx.msk [tilespmem:v0+s28+$0x0], $0xffff  }
0xe0: {  	v2 =	vmul.f32 v2, v5;
	v19 =	vld.idx.msk [tilespmem:v9+s26+$0x0], $0xffff  }
0xe1: {  	v13 =	vsub.f32 v13, v16;
	[tilespmem:s16+$0x1E0] =	vst v3;
	v3 =	vsub.f32 v17, v15;
	v15 =	vld.idx.msk [tilespmem:v4+s28+$0x0], $0xffff  }
0xe2: {  	[tilespmem:s16+$0xFFFFFE50] =	vst v2;
	v2 =	vsub.f32 $1.000000000e+00, v2;
	v11 =	vld [tilespmem:s10+$0xF0]  }
0xe3: {  	v4 =	vsub.f32 v14, v12;
	v1 =	vmul.f32 v13, v1;
	v13 =	vld [tilespmem:s18+$0x90]  }
0xe4: {  	[tilespmem:s16+$0xFFFFFED0] =	vst v2;
	v3 =	vmul.f32 v3, v7;
	v7 =	vld.idx.msk [tilespmem:v9+s28+$0x0], $0xffff  }
0xe5: {  	v0 =	vmul.f32 v4, v0;
	v4 =	vld [tilespmem:s9+$0xF0];
	[tilespmem:s7+$0xFFFFFF00] =	vst v1;
	v1 =	vsub.f32 $1.000000000e+00, v1  }
0xe6: {  	[tilespmem:s7+$0xFFFFFE00] =	vst v3;
	v12 =	vsub.f32 $1.000000000e+00, v3;
	v9 =	vld.idx.msk [tilespmem:v8+s26+$0x0], $0xffff  }
0xe7: {  	[tilespmem:s7+$0xFFFFFF80] =	vst v1;
	v8 =	vld.idx.msk [tilespmem:v8+s28+$0x0], $0xffff  }
0xe8: {  	v1 =	vsub.f32 v6, v46;
	[tilespmem:s7+$0xFFFFFE80] =	vst v12;
	v2 =	vld [tilespmem:s18+$0xFFFFFF90]  }
0xe9: {  	v5 =	vld [tilespmem:s17+$0xFFFFFF10]  }
0xea: {  	v10 =	vsub.f32 $1.000000000e+00, v0;
	[tilespmem:s7+$0x0] =	vst v0;
	v0 =	vmul.f32 v1, v15;
	v1 =	vld [tilespmem:s17+$0xFFFFFF90]  }
0xeb: {  	v12 =	vld [tilespmem:s10+$0xFFFFFF60]  }
0xec: {  	[tilespmem:s7+$0x80] =	vst v10;
	v10 =	vld [tilespmem:s18+$0xFFFFFF10];
	v6 =	vsub.f32 v13, v9  }
0xed: {  	v3 =	vld.idx.msk [tilespmem:v11+s26+$0x0], $0xffff;
	[tilespmem:s16+$0xFFFFFF50] =	vst v0;
	v0 =	vsub.f32 $1.000000000e+00, v0  }
0xee: {  	v9 =	vld [tilespmem:s17+$0x10];
	v6 =	vmul.f32 v6, v8  }
0xef: {  	[tilespmem:s16+$0xFFFFFFD0] =	vst v0;
	v0 =	vld [tilespmem:s18+$0x10]  }
0xf0: {  	v8 =	vsub.f32 $1.000000000e+00, v6;
	[tilespmem:s7+$0x110] =	vst v6;
	v6 =	vld [tilespmem:s10+$0xFFFFFFE0]  }
0xf1: {  	v14 =	vsub.f32 v20, v19;
	v13 =	vld.idx.msk [tilespmem:v5+s26+$0x0], $0xffff  }
0xf2: {  	v15 =	vld.idx.msk [tilespmem:v1+s26+$0x0], $0xffff  }
0xf3: {  	v7 =	vmul.f32 v14, v7;
	v14 =	vld.idx.msk [tilespmem:v5+s28+$0x0], $0xffff;
	[tilespmem:s7+$0x190] =	vst v8  }
0xf4: {  	v8 =	vld [tilespmem:s17+$0xA0]  }
0xf5: {  	v1 =	vld.idx.msk [tilespmem:v1+s28+$0x0], $0xffff  }
0xf6: {  	v48 =	vsub.f32 $1.000000000e+00, v7;
	v5 =	vld.idx.msk [tilespmem:v11+s28+$0x0], $0xffff  }
0xf7: {  	[tilespmem:s16+$0x50] =	vst v7;
	v47 =	vld.idx.msk [tilespmem:v9+s26+$0x0], $0xffff  }
0xf8: {  	[tilespmem:s16+$0xD0] =	vst v48;
	v9 =	vld.idx.msk [tilespmem:v9+s28+$0x0], $0xffff;
	v10 =	vsub.f32 v10, v13  }
0xf9: {  	v13 =	vld [tilespmem:s10+$0x60]  }
0xfa: {  	v7 =	vmul.f32 v10, v14;
	v10 =	vld [tilespmem:s18+$0xA0]  }
0xfb: {  	v2 =	vsub.f32 v2, v15;
	v14 =	vld [tilespmem:s9+$0xFFFFFF60]  }
0xfc: {  	v11 =	vld.idx.msk [tilespmem:v8+s26+$0x0], $0xffff  }
0xfd: {  	v1 =	vmul.f32 v2, v1;
	v0 =	vsub.f32 v0, v47;
	[tilespmem:s7+$0xFFFFFE10] =	vst v7;
	v2 =	vsub.f32 $1.000000000e+00, v7;
	v7 =	vld.idx.msk [tilespmem:v8+s28+$0x0], $0xffff  }
0xfe: {  	v8 =	vld.idx.msk [tilespmem:v12+s26+$0x0], $0xffff  }
0xff: {  	v0 =	vmul.f32 v0, v9;
	v9 =	vld.idx.msk [tilespmem:v6+s26+$0x0], $0xffff  }
0x100: {  	[tilespmem:s7+$0xFFFFFF10] =	vst v1;
	v1 =	vsub.f32 $1.000000000e+00, v1;
	v12 =	vld.idx.msk [tilespmem:v12+s28+$0x0], $0xffff  }
0x101: {  	[tilespmem:s7+$0xFFFFFE90] =	vst v2;
	v6 =	vld.idx.msk [tilespmem:v6+s28+$0x0], $0xffff;
	v2 =	vsub.f32 $1.000000000e+00, v0  }
0x102: {  	[tilespmem:s7+$0xFFFFFF90] =	vst v1;
	v1 =	vsub.f32 v10, v11;
	v10 =	vld [tilespmem:s17+$0xFFFFFF20]  }
0x103: {  	[tilespmem:s7+$0x90] =	vst v2;
	v2 =	vld [tilespmem:s17+$0xFFFFFFA0]  }
0x104: {  	v15 =	vld [tilespmem:s18+$0xFFFFFF20];
	[tilespmem:s7+$0x10] =	vst v0;
	v0 =	vmul.f32 v1, v7  }
0x105: {  	v1 =	vld [tilespmem:s17+$0x20]  }
0x106: {  	v7 =	vld [tilespmem:s9+$0xFFFFFFE0];
	v11 =	vsub.f32 $1.000000000e+00, v0  }
0x107: {  	v49 =	vld [tilespmem:s18+$0x20];
	[tilespmem:s7+$0x120] =	vst v0  }
0x108: {  	v0 =	vld [tilespmem:s18+$0xFFFFFFA0];
	[tilespmem:s7+$0x1A0] =	vst v11  }
0x109: {  	v11 =	vld [tilespmem:s17+$0xB0]  }
0x10a: {  	v50 =	vld.idx.msk [tilespmem:v10+s26+$0x0], $0xffff  }
0x10b: {  	v51 =	vld.idx.msk [tilespmem:v2+s26+$0x0], $0xffff;
	v7 =	vsub.f32 v7, v9  }
0x10c: {  	v10 =	vld.idx.msk [tilespmem:v10+s28+$0x0], $0xffff  }
0x10d: {  	v2 =	vld.idx.msk [tilespmem:v2+s28+$0x0], $0xffff;
	v6 =	vmul.f32 v7, v6  }
0x10e: {  	v52 =	vld.idx.msk [tilespmem:v1+s26+$0x0], $0xffff  }
0x10f: {  	v54 =	vld [tilespmem:s18+$0xB0];
	v58 =	vsub.f32 $1.000000000e+00, v6;
	v15 =	vsub.f32 v15, v50  }
0x110: {  	v1 =	vld.idx.msk [tilespmem:v1+s28+$0x0], $0xffff;
	[tilespmem:s16+$0xFFFFFF60] =	vst v6;
	v0 =	vsub.f32 v0, v51  }
0x111: {  	[tilespmem:s16+$0xFFFFFFE0] =	vst v58;
	v53 =	vld.idx.msk [tilespmem:v11+s26+$0x0], $0xffff;
	v10 =	vmul.f32 v15, v10  }
0x112: {  	v0 =	vmul.f32 v0, v2;
	v63 =	vld [tilespmem:s9+$0xFFFFFFF0]  }
0x113: {  	v16 =	vsub.f32 v49, v52;
	v2 =	vld.idx.msk [tilespmem:v11+s28+$0x0], $0xffff;
	[tilespmem:s7+$0xFFFFFE20] =	vst v10;
	v10 =	vsub.f32 $1.000000000e+00, v10  }
0x114: {  	v15 =	vld.idx.msk [tilespmem:v13+s26+$0x0], $0xffff;
	[tilespmem:s7+$0xFFFFFF20] =	vst v0;
	v0 =	vsub.f32 $1.000000000e+00, v0  }
0x115: {  	v11 =	vld [tilespmem:s9+$0x60];
	v1 =	vmul.f32 v16, v1;
	[tilespmem:s7+$0xFFFFFEA0] =	vst v10  }
0x116: {  	[tilespmem:s7+$0xFFFFFFA0] =	vst v0;
	v55 =	vsub.f32 v54, v53;
	v56 =	vld [tilespmem:s17+$0xFFFFFF30]  }
0x117: {  	v10 =	vsub.f32 $1.000000000e+00, v1;
	v0 =	vld [tilespmem:s17+$0xFFFFFFB0]  }
0x118: {  	[tilespmem:s7+$0x20] =	vst v1;
	v57 =	vld [tilespmem:s18+$0xFFFFFF30];
	v2 =	vmul.f32 v55, v2  }
0x119: {  	[tilespmem:s7+$0xA0] =	vst v10;
	v10 =	vld.idx.msk [tilespmem:v13+s28+$0x0], $0xffff  }
0x11a: {  	v1 =	vld [tilespmem:s17+$0x30];
	v13 =	vsub.f32 $1.000000000e+00, v2  }
0x11b: {  	v8 =	vsub.f32 v14, v8;
	v14 =	vld [tilespmem:s18+$0x30];
	[tilespmem:s7+$0x130] =	vst v2  }
0x11c: {  	v2 =	vld [tilespmem:s18+$0xFFFFFFB0];
	[tilespmem:s7+$0x1B0] =	vst v13  }
0x11d: {  	v13 =	vld [tilespmem:s17+$0xC0]  }
0x11e: {  	v8 =	vmul.f32 v8, v12;
	v11 =	vsub.f32 v11, v15;
	v9 =	vld.idx.msk [tilespmem:v56+s26+$0x0], $0xffff  }
0x11f: {  	v12 =	vld.idx.msk [tilespmem:v0+s26+$0x0], $0xffff  }
0x120: {  	v15 =	vsub.f32 $1.000000000e+00, v8;
	v10 =	vmul.f32 v11, v10;
	v7 =	vld.idx.msk [tilespmem:v56+s28+$0x0], $0xffff  }
0x121: {  	v0 =	vld.idx.msk [tilespmem:v0+s28+$0x0], $0xffff  }
0x122: {  	[tilespmem:s16+$0xFFFFFEE0] =	vst v15;
	v15 =	vsub.f32 $1.000000000e+00, v10;
	v11 =	vld.idx.msk [tilespmem:v1+s26+$0x0], $0xffff  }
0x123: {  	v59 =	vld.idx.msk [tilespmem:v1+s28+$0x0], $0xffff;
	v1 =	vsub.f32 v57, v9  }
0x124: {  	[tilespmem:s16+$0xE0] =	vst v15;
	v15 =	vld [tilespmem:s18+$0xC0]  }
0x125: {  	[tilespmem:s16+$0xFFFFFE60] =	vst v8;
	v2 =	vsub.f32 v2, v12;
	v9 =	vld.idx.msk [tilespmem:v13+s26+$0x0], $0xffff;
	v7 =	vmul.f32 v1, v7  }
0x126: {  	v12 =	vld [tilespmem:s9+$0xFFFFFF70]  }
0x127: {  	[tilespmem:s16+$0x60] =	vst v10;
	v8 =	vld.idx.msk [tilespmem:v13+s28+$0x0], $0xffff;
	v6 =	vsub.f32 v14, v11;
	v11 =	vmul.f32 v2, v0;
	v10 =	vsub.f32 $1.000000000e+00, v7  }
0x128: {  	v1 =	vld [tilespmem:s10+$0xFFFFFF70];
	[tilespmem:s7+$0xFFFFFE30] =	vst v7  }
0x129: {  	v2 =	vld [tilespmem:s10+$0xFFFFFFF0];
	v6 =	vmul.f32 v6, v59;
	v7 =	vsub.f32 $1.000000000e+00, v11;
	[tilespmem:s7+$0xFFFFFEB0] =	vst v10  }
0x12a: {  	[tilespmem:s7+$0xFFFFFF30] =	vst v11;
	v9 =	vsub.f32 v15, v9;
	v10 =	vld [tilespmem:s17+$0xFFFFFF40]  }
0x12b: {  	v0 =	vld [tilespmem:s10+$0x70];
	v11 =	vsub.f32 $1.000000000e+00, v6;
	[tilespmem:s7+$0xFFFFFFB0] =	vst v7  }
0x12c: {  	[tilespmem:s7+$0x30] =	vst v6;
	v7 =	vmul.f32 v9, v8;
	v8 =	vld [tilespmem:s17+$0xFFFFFFC0]  }
0x12d: {  	v13 =	vld [tilespmem:s18+$0xFFFFFF40];
	[tilespmem:s7+$0xB0] =	vst v11  }
0x12e: {  	v11 =	vld [tilespmem:s17+$0x40];
	v6 =	vsub.f32 $1.000000000e+00, v7  }
0x12f: {  	v9 =	vld [tilespmem:s18+$0xFFFFFFC0];
	[tilespmem:s7+$0x140] =	vst v7  }
0x130: {  	v7 =	vld [tilespmem:s18+$0x40];
	[tilespmem:s7+$0x1C0] =	vst v6  }
0x131: {  	v6 =	vld [tilespmem:s17+$0xD0]  }
0x132: {  	v15 =	vld.idx.msk [tilespmem:v10+s26+$0x0], $0xffff  }
0x133: {  	v10 =	vld.idx.msk [tilespmem:v10+s28+$0x0], $0xffff  }
0x134: {  	v60 =	vld.idx.msk [tilespmem:v8+s26+$0x0], $0xffff  }
0x135: {  	v8 =	vld.idx.msk [tilespmem:v8+s28+$0x0], $0xffff  }
0x136: {  	v3 =	vsub.f32 v4, v3;
	v4 =	vld.idx.msk [tilespmem:v11+s26+$0x0], $0xffff  }
0x137: {  	v11 =	vld.idx.msk [tilespmem:v11+s28+$0x0], $0xffff  }
0x138: {  	v3 =	vmul.f32 v3, v5;
	v5 =	vsub.f32 v13, v15;
	v15 =	vld [tilespmem:s18+$0xD0]  }
0x139: {  	v13 =	vld.idx.msk [tilespmem:v6+s26+$0x0], $0xffff  }
0x13a: {  	v61 =	vsub.f32 $1.000000000e+00, v3;
	v14 =	vld.idx.msk [tilespmem:v1+s26+$0x0], $0xffff;
	v10 =	vmul.f32 v5, v10;
	v5 =	vsub.f32 v9, v60  }
0x13b: {  	[tilespmem:s16+$0x170] =	vst v3;
	v9 =	vld.idx.msk [tilespmem:v6+s28+$0x0], $0xffff  }
0x13c: {  	[tilespmem:s16+$0x1F0] =	vst v61;
	v62 =	vld.idx.msk [tilespmem:v2+s26+$0x0], $0xffff;
	v4 =	vsub.f32 v7, v4;
	v3 =	vsub.f32 $1.000000000e+00, v10;
	v8 =	vmul.f32 v5, v8  }
0x13d: {  	v6 =	vld [tilespmem:s9+$0x70];
	[tilespmem:s7+$0xFFFFFE40] =	vst v10  }
0x13e: {  	v5 =	vld.idx.msk [tilespmem:v0+s26+$0x0], $0xffff;
	v4 =	vmul.f32 v4, v11;
	[tilespmem:s7+$0xFFFFFEC0] =	vst v3;
	v3 =	vsub.f32 $1.000000000e+00, v8;
	v11 =	vsub.f32 v15, v13  }
0x13f: {  	[tilespmem:s7+$0xFFFFFF40] =	vst v8;
	v7 =	vld [tilespmem:s17+$0xFFFFFF50]  }
0x140: {  	v10 =	vld [tilespmem:s18+$0xFFFFFF50];
	v13 =	vsub.f32 $1.000000000e+00, v4;
	[tilespmem:s7+$0xFFFFFFC0] =	vst v3;
	v11 =	vmul.f32 v11, v9  }
0x141: {  	s15 =	sshll.u32 s3, $0xE;
	s11 =	simm.s32 $0x4;
	s12 =	simm.s32 $0x4780;
	[tilespmem:s7+$0x40] =	vst v4;
	v4 =	vsub.f32 v63, v62;
	v9 =	vld [tilespmem:s17+$0xFFFFFFD0]  }
0x142: {  	s15 =	sor.u32 s8, s15;
	s10 =	simm.s32 $0x580;
	s9 =	simm.s32 $0x8880;
	v3 =	vsub.f32 v12, v14;
	v8 =	vld [tilespmem:s18+$0xFFFFFFD0];
	[tilespmem:s7+$0xC0] =	vst v13;
	v12 =	vsub.f32 $1.000000000e+00, v11  }
.LBB2_3:
0x143: {  	v13 =	vld [tilespmem:s12+$0x80];
	[tilespmem:s7+$0x150] =	vst v11;
	v5 =	vsub.f32 v6, v5  }
0x144: {  	v6 =	vld [tilespmem:s12+$0xFFFFFF80];
	[tilespmem:s7+$0x1D0] =	vst v12  }
0x145: {  	v11 =	vld [tilespmem:s17+$0xE0]  }
0x146: {  	v12 =	vld [tilespmem:s12+$0x0]  }
0x147: {  	s11 =	sadd.s32 $0x4, s11;
	v14 =	vld [tilespmem:s12+$0xFFFFFF00]  }
0x148: {  	p1 =	slt.u32 s11, $0x3C;
	v15 =	vld [tilespmem:s17+$0x50]  }
0x149: {  	s18 =	sadd.s32 $0x200, s18;
	v16 =	vld.idx.msk [tilespmem:v7+s26+$0x0], $0xffff  }
0x14a: {  	v17 =	vld [tilespmem:s18+$0x80]  }
0x14b: {  	v18 =	vld.idx.msk [tilespmem:v13+s26+$0x0], $0xffff  }
0x14c: {  	v13 =	vld.idx.msk [tilespmem:v13+s28+$0x0], $0xffff  }
0x14d: {  	v19 =	vld.idx.msk [tilespmem:v11+s26+$0x0], $0xffff  }
0x14e: {  	v20 =	vld [tilespmem:s10+$0xE0]  }
0x14f: {  	v10 =	vsub.f32 v10, v16;
	v11 =	vld.idx.msk [tilespmem:v11+s28+$0x0], $0xffff  }
0x150: {  	v16 =	vld.idx.msk [tilespmem:v14+s26+$0x0], $0xffff  }
0x151: {  	v17 =	vsub.f32 v17, v18;
	v21 =	vld.idx.msk [tilespmem:v6+s26+$0x0], $0xffff  }
0x152: {  	v18 =	vld.idx.msk [tilespmem:v12+s26+$0x0], $0xffff  }
0x153: {  	v13 =	vmul.f32 v17, v13;
	v22 =	vld [tilespmem:s18+$0xFFFFFF00];
	v17 =	vsub.f32 v20, v19  }
0x154: {  	v19 =	vld [tilespmem:s18+$0xFFFFFF80]  }
0x155: {  	s7 =	sadd.s32 $0x400, s7;
	v23 =	vsub.f32 $1.000000000e+00, v13;
	v20 =	vld [tilespmem:s18+$0x0];
	v11 =	vmul.f32 v17, v11  }
0x156: {  	v14 =	vld.idx.msk [tilespmem:v14+s28+$0x0], $0xffff;
	[tilespmem:s7+$0x100] =	vst v13  }
0x157: {  	v6 =	vld.idx.msk [tilespmem:v6+s28+$0x0], $0xffff;
	[tilespmem:s7+$0x180] =	vst v23;
	v13 =	vsub.f32 $1.000000000e+00, v11  }
0x158: {  	v16 =	vsub.f32 v22, v16;
	v12 =	vld.idx.msk [tilespmem:v12+s28+$0x0], $0xffff;
	[tilespmem:s9+$0x160] =	vst v11  }
0x159: {  	v11 =	vsub.f32 v19, v21;
	v17 =	vld [tilespmem:s12+$0x90];
	[tilespmem:s9+$0x1E0] =	vst v13  }
0x15a: {  	v13 =	vsub.f32 v20, v18;
	v18 =	vld [tilespmem:s17+$0xF0]  }
0x15b: {  	v19 =	vld.idx.msk [tilespmem:v9+s26+$0x0], $0xffff  }
0x15c: {  	v14 =	vmul.f32 v16, v14;
	v16 =	vld.idx.msk [tilespmem:v15+s26+$0x0], $0xffff  }
0x15d: {  	v6 =	vmul.f32 v11, v6;
	v11 =	vld [tilespmem:s10+$0x50]  }
0x15e: {  	v12 =	vmul.f32 v13, v12;
	[tilespmem:s7+$0xFFFFFE00] =	vst v14;
	v14 =	vsub.f32 $1.000000000e+00, v14;
	v7 =	vld.idx.msk [tilespmem:v7+s28+$0x0], $0xffff  }
0x15f: {  	[tilespmem:s7+$0xFFFFFF00] =	vst v6;
	v6 =	vsub.f32 $1.000000000e+00, v6;
	v9 =	vld.idx.msk [tilespmem:v9+s28+$0x0], $0xffff  }
0x160: {  	v13 =	vsub.f32 $1.000000000e+00, v12;
	[tilespmem:s7+$0xFFFFFE80] =	vst v14;
	v14 =	vld.idx.msk [tilespmem:v15+s28+$0x0], $0xffff  }
0x161: {  	v8 =	vsub.f32 v8, v19;
	[tilespmem:s7+$0xFFFFFF80] =	vst v6;
	v6 =	vld.idx.msk [tilespmem:v17+s26+$0x0], $0xffff  }
0x162: {  	[tilespmem:s7+$0x80] =	vst v13;
	v11 =	vsub.f32 v11, v16;
	v13 =	vld.idx.msk [tilespmem:v18+s26+$0x0], $0xffff  }
0x163: {  	[tilespmem:s7+$0x0] =	vst v12;
	v12 =	vld [tilespmem:s10+$0xF0]  }
0x164: {  	v7 =	vmul.f32 v10, v7;
	v10 =	vld.idx.msk [tilespmem:v18+s28+$0x0], $0xffff  }
0x165: {  	v8 =	vmul.f32 v8, v9;
	v15 =	vld [tilespmem:s18+$0x90]  }
0x166: {  	v11 =	vmul.f32 v11, v14;
	v9 =	vld.idx.msk [tilespmem:v17+s28+$0x0], $0xffff;
	[tilespmem:s9+$0xFFFFFE50] =	vst v7;
	v7 =	vsub.f32 $1.000000000e+00, v7  }
0x167: {  	v14 =	vld [tilespmem:s12+$0xFFFFFF10];
	[tilespmem:s9+$0xFFFFFF50] =	vst v8;
	v8 =	vsub.f32 $1.000000000e+00, v8  }
0x168: {  	v16 =	vld [tilespmem:s12+$0xFFFFFF90];
	[tilespmem:s9+$0xFFFFFED0] =	vst v7;
	v7 =	vsub.f32 $1.000000000e+00, v11;
	v12 =	vsub.f32 v12, v13  }
0x169: {  	v13 =	vld [tilespmem:s12+$0x10];
	[tilespmem:s9+$0xFFFFFFD0] =	vst v8  }
0x16a: {  	v8 =	vld [tilespmem:s18+$0xFFFFFF10];
	v6 =	vsub.f32 v15, v6;
	[tilespmem:s9+$0xD0] =	vst v7;
	v7 =	vmul.f32 v12, v10  }
0x16b: {  	v10 =	vld [tilespmem:s18+$0xFFFFFF90];
	[tilespmem:s9+$0x50] =	vst v11  }
0x16c: {  	v11 =	vld [tilespmem:s18+$0x10];
	v6 =	vmul.f32 v6, v9;
	[tilespmem:s9+$0x170] =	vst v7;
	v7 =	vsub.f32 $1.000000000e+00, v7  }
0x16d: {  	v9 =	vld [tilespmem:s17+$0xFFFFFF60]  }
0x16e: {  	v12 =	vsub.f32 $1.000000000e+00, v6;
	v15 =	vld [tilespmem:s17+$0xFFFFFFE0];
	[tilespmem:s9+$0x1F0] =	vst v7  }
0x16f: {  	v7 =	vld.idx.msk [tilespmem:v14+s26+$0x0], $0xffff;
	[tilespmem:s7+$0x110] =	vst v6  }
0x170: {  	v6 =	vld.idx.msk [tilespmem:v16+s26+$0x0], $0xffff;
	[tilespmem:s7+$0x190] =	vst v12  }
0x171: {  	v12 =	vld [tilespmem:s12+$0xA0]  }
0x172: {  	v17 =	vld.idx.msk [tilespmem:v13+s26+$0x0], $0xffff  }
0x173: {  	v14 =	vld.idx.msk [tilespmem:v14+s28+$0x0], $0xffff  }
0x174: {  	v16 =	vld.idx.msk [tilespmem:v16+s28+$0x0], $0xffff  }
0x175: {  	v7 =	vsub.f32 v8, v7;
	v8 =	vld.idx.msk [tilespmem:v13+s28+$0x0], $0xffff  }
0x176: {  	v6 =	vsub.f32 v10, v6;
	v10 =	vld [tilespmem:s17+$0x60]  }
0x177: {  	v13 =	vld.idx.msk [tilespmem:v9+s26+$0x0], $0xffff  }
0x178: {  	v11 =	vsub.f32 v11, v17;
	v17 =	vld.idx.msk [tilespmem:v15+s26+$0x0], $0xffff  }
0x179: {  	v7 =	vmul.f32 v7, v14;
	v14 =	vld.idx.msk [tilespmem:v12+s26+$0x0], $0xffff  }
0x17a: {  	v6 =	vmul.f32 v6, v16;
	v16 =	vld [tilespmem:s18+$0xA0]  }
0x17b: {  	v8 =	vmul.f32 v11, v8;
	[tilespmem:s7+$0xFFFFFE10] =	vst v7;
	v7 =	vsub.f32 $1.000000000e+00, v7;
	v11 =	vld.idx.msk [tilespmem:v12+s28+$0x0], $0xffff  }
0x17c: {  	[tilespmem:s7+$0xFFFFFF10] =	vst v6;
	v6 =	vsub.f32 $1.000000000e+00, v6;
	v12 =	vld [tilespmem:s10+$0xFFFFFF60]  }
0x17d: {  	[tilespmem:s7+$0xFFFFFE90] =	vst v7;
	v7 =	vsub.f32 $1.000000000e+00, v8;
	v18 =	vld [tilespmem:s10+$0xFFFFFFE0]  }
0x17e: {  	v19 =	vld [tilespmem:s12+$0xFFFFFF20];
	[tilespmem:s7+$0xFFFFFF90] =	vst v6  }
0x17f: {  	v6 =	vld [tilespmem:s12+$0xFFFFFFA0];
	[tilespmem:s7+$0x90] =	vst v7;
	v7 =	vsub.f32 v16, v14  }
0x180: {  	v14 =	vld [tilespmem:s18+$0xFFFFFF20];
	[tilespmem:s7+$0x10] =	vst v8  }
0x181: {  	v8 =	vld [tilespmem:s12+$0x20];
	v7 =	vmul.f32 v7, v11;
	v11 =	vsub.f32 v12, v13  }
0x182: {  	v12 =	vld [tilespmem:s18+$0xFFFFFFA0];
	v13 =	vsub.f32 v18, v17  }
0x183: {  	v16 =	vld [tilespmem:s18+$0x20];
	v17 =	vsub.f32 $1.000000000e+00, v7  }
0x184: {  	[tilespmem:s7+$0x120] =	vst v7;
	v7 =	vld.idx.msk [tilespmem:v10+s26+$0x0], $0xffff  }
0x185: {  	[tilespmem:s7+$0x1A0] =	vst v17;
	v17 =	vld [tilespmem:s10+$0x60]  }
0x186: {  	v18 =	vld [tilespmem:s12+$0xB0]  }
0x187: {  	v20 =	vld.idx.msk [tilespmem:v19+s26+$0x0], $0xffff  }
0x188: {  	v21 =	vld.idx.msk [tilespmem:v6+s26+$0x0], $0xffff  }
0x189: {  	v22 =	vld.idx.msk [tilespmem:v8+s26+$0x0], $0xffff  }
0x18a: {  	v19 =	vld.idx.msk [tilespmem:v19+s28+$0x0], $0xffff;
	v7 =	vsub.f32 v17, v7  }
0x18b: {  	v6 =	vld.idx.msk [tilespmem:v6+s28+$0x0], $0xffff  }
0x18c: {  	v8 =	vld.idx.msk [tilespmem:v8+s28+$0x0], $0xffff  }
0x18d: {  	v14 =	vsub.f32 v14, v20;
	v9 =	vld.idx.msk [tilespmem:v9+s28+$0x0], $0xffff  }
0x18e: {  	v12 =	vsub.f32 v12, v21;
	v17 =	vld.idx.msk [tilespmem:v18+s26+$0x0], $0xffff  }
0x18f: {  	v16 =	vsub.f32 v16, v22;
	v20 =	vld [tilespmem:s18+$0xB0]  }
0x190: {  	v14 =	vmul.f32 v14, v19;
	v18 =	vld.idx.msk [tilespmem:v18+s28+$0x0], $0xffff  }
0x191: {  	v6 =	vmul.f32 v12, v6;
	v12 =	vld.idx.msk [tilespmem:v15+s28+$0x0], $0xffff  }
0x192: {  	v8 =	vmul.f32 v16, v8;
	[tilespmem:s7+$0xFFFFFE20] =	vst v14;
	v14 =	vsub.f32 $1.000000000e+00, v14;
	v10 =	vld.idx.msk [tilespmem:v10+s28+$0x0], $0xffff  }
0x193: {  	v9 =	vmul.f32 v11, v9;
	[tilespmem:s7+$0xFFFFFF20] =	vst v6;
	v6 =	vsub.f32 $1.000000000e+00, v6;
	v1 =	vld.idx.msk [tilespmem:v1+s28+$0x0], $0xffff  }
0x194: {  	v11 =	vsub.f32 $1.000000000e+00, v8;
	[tilespmem:s7+$0xFFFFFEA0] =	vst v14;
	v14 =	vsub.f32 v20, v17;
	v2 =	vld.idx.msk [tilespmem:v2+s28+$0x0], $0xffff  }
0x195: {  	v15 =	vld [tilespmem:s12+$0xFFFFFF30];
	[tilespmem:s7+$0xFFFFFFA0] =	vst v6;
	v6 =	vsub.f32 $1.000000000e+00, v9  }
0x196: {  	v16 =	vld [tilespmem:s12+$0xFFFFFFB0];
	[tilespmem:s7+$0xA0] =	vst v11;
	v11 =	vmul.f32 v14, v18  }
0x197: {  	v14 =	vld [tilespmem:s18+$0xFFFFFF30];
	[tilespmem:s7+$0x20] =	vst v8;
	v8 =	vmul.f32 v13, v12  }
0x198: {  	v12 =	vld [tilespmem:s12+$0x30];
	v13 =	vsub.f32 $1.000000000e+00, v11;
	[tilespmem:s9+$0xFFFFFEE0] =	vst v6;
	v6 =	vmul.f32 v7, v10  }
0x199: {  	v1 =	vmul.f32 v3, v1;
	v7 =	vld [tilespmem:s18+$0xFFFFFFB0];
	[tilespmem:s7+$0x130] =	vst v11;
	v10 =	vsub.f32 $1.000000000e+00, v8  }
0x19a: {  	v2 =	vmul.f32 v4, v2;
	v3 =	vld [tilespmem:s18+$0x30];
	[tilespmem:s7+$0x1B0] =	vst v13;
	v11 =	vsub.f32 $1.000000000e+00, v6  }
0x19b: {  	v4 =	vld [tilespmem:s12+$0xC0];
	[tilespmem:s9+$0xFFFFFFE0] =	vst v10;
	v10 =	vsub.f32 $1.000000000e+00, v1  }
0x19c: {  	[tilespmem:s9+$0xE0] =	vst v11;
	v11 =	vsub.f32 $1.000000000e+00, v2;
	v0 =	vld.idx.msk [tilespmem:v0+s28+$0x0], $0xffff  }
0x19d: {  	v13 =	vld.idx.msk [tilespmem:v15+s26+$0x0], $0xffff;
	[tilespmem:s9+$0xFFFFFE60] =	vst v9  }
0x19e: {  	v9 =	vld.idx.msk [tilespmem:v16+s26+$0x0], $0xffff;
	[tilespmem:s9+$0xFFFFFF60] =	vst v8  }
0x19f: {  	v8 =	vld.idx.msk [tilespmem:v15+s28+$0x0], $0xffff;
	[tilespmem:s9+$0x60] =	vst v6  }
0x1a0: {  	v6 =	vld.idx.msk [tilespmem:v12+s26+$0x0], $0xffff;
	[tilespmem:s16+$0xFFFFFEF0] =	vst v10  }
0x1a1: {  	v10 =	vld.idx.msk [tilespmem:v16+s28+$0x0], $0xffff;
	[tilespmem:s16+$0xFFFFFFF0] =	vst v11  }
0x1a2: {  	v0 =	vmul.f32 v5, v0;
	v11 =	vld.idx.msk [tilespmem:v12+s28+$0x0], $0xffff;
	[tilespmem:s16+$0xFFFFFE70] =	vst v1  }
0x1a3: {  	v1 =	vsub.f32 v14, v13;
	v5 =	vld.idx.msk [tilespmem:v4+s26+$0x0], $0xffff;
	[tilespmem:s16+$0xFFFFFF70] =	vst v2  }
0x1a4: {  	v2 =	vsub.f32 v7, v9;
	v7 =	vld [tilespmem:s18+$0xC0];
	[tilespmem:s16+$0x70] =	vst v0;
	v0 =	vsub.f32 $1.000000000e+00, v0  }
0x1a5: {  	v8 =	vmul.f32 v1, v8;
	v4 =	vld.idx.msk [tilespmem:v4+s28+$0x0], $0xffff  }
0x1a6: {  	v3 =	vsub.f32 v3, v6;
	v1 =	vld [tilespmem:s17+$0xFFFFFF70];
	[tilespmem:s16+$0xF0] =	vst v0;
	s16 =	smov.u32 s9;
	s9 =	smov.u32 s7  }
0x1a7: {  	v6 =	vsub.f32 $1.000000000e+00, v8;
	[tilespmem:s7+$0xFFFFFE30] =	vst v8;
	v8 =	vmul.f32 v2, v10;
	v2 =	vld [tilespmem:s17+$0xFFFFFFF0]  }
0x1a8: {  	v3 =	vmul.f32 v3, v11;
	v0 =	vld [tilespmem:s17+$0x70];
	s17 =	smov.u32 s12  }
0x1a9: {  	[tilespmem:s7+$0xFFFFFEB0] =	vst v6;
	v6 =	vsub.f32 $1.000000000e+00, v8;
	v5 =	vsub.f32 v7, v5;
	v7 =	vld [tilespmem:s10+$0xFFFFFF70]  }
0x1aa: {  	v9 =	vld [tilespmem:s12+$0xFFFFFF40];
	[tilespmem:s7+$0xFFFFFF30] =	vst v8;
	v8 =	vsub.f32 $1.000000000e+00, v3  }
0x1ab: {  	v10 =	vld [tilespmem:s18+$0xFFFFFF40];
	[tilespmem:s7+$0xFFFFFFB0] =	vst v6;
	v4 =	vmul.f32 v5, v4  }
0x1ac: {  	v5 =	vld [tilespmem:s12+$0xFFFFFFC0];
	[tilespmem:s7+$0xB0] =	vst v8  }
0x1ad: {  	v6 =	vld [tilespmem:s18+$0xFFFFFFC0];
	[tilespmem:s7+$0x30] =	vst v3;
	v3 =	vsub.f32 $1.000000000e+00, v4  }
0x1ae: {  	v8 =	vld [tilespmem:s12+$0x40];
	[tilespmem:s7+$0x140] =	vst v4  }
0x1af: {  	v4 =	vld [tilespmem:s18+$0x40];
	[tilespmem:s7+$0x1C0] =	vst v3  }
0x1b0: {  	v11 =	vld [tilespmem:s12+$0xD0]  }
0x1b1: {  	v3 =	vld.idx.msk [tilespmem:v1+s26+$0x0], $0xffff  }
0x1b2: {  	v12 =	vld.idx.msk [tilespmem:v9+s26+$0x0], $0xffff  }
0x1b3: {  	v9 =	vld.idx.msk [tilespmem:v9+s28+$0x0], $0xffff  }
0x1b4: {  	v13 =	vld.idx.msk [tilespmem:v5+s26+$0x0], $0xffff  }
0x1b5: {  	v5 =	vld.idx.msk [tilespmem:v5+s28+$0x0], $0xffff  }
0x1b6: {  	v14 =	vld.idx.msk [tilespmem:v8+s26+$0x0], $0xffff  }
0x1b7: {  	v3 =	vsub.f32 v7, v3;
	v8 =	vld.idx.msk [tilespmem:v8+s28+$0x0], $0xffff  }
0x1b8: {  	v7 =	vsub.f32 v10, v12;
	v10 =	vld.idx.msk [tilespmem:v11+s26+$0x0], $0xffff  }
0x1b9: {  	v12 =	vld [tilespmem:s18+$0xD0]  }
0x1ba: {  	v7 =	vmul.f32 v7, v9;
	v6 =	vsub.f32 v6, v13;
	v9 =	vld.idx.msk [tilespmem:v11+s28+$0x0], $0xffff  }
0x1bb: {  	v13 =	vld.idx.msk [tilespmem:v2+s26+$0x0], $0xffff  }
0x1bc: {  	v11 =	vmul.f32 v6, v5;
	v4 =	vsub.f32 v4, v14;
	[tilespmem:s7+$0xFFFFFE40] =	vst v7;
	v7 =	vsub.f32 $1.000000000e+00, v7;
	v5 =	vld.idx.msk [tilespmem:v0+s26+$0x0], $0xffff  }
0x1bd: {  	v14 =	vld [tilespmem:s10+$0xFFFFFFF0]  }
.Ltmp2:
0x1be: {  	v15 =	vsub.f32 $1.000000000e+00, v11;
	v4 =	vmul.f32 v4, v8;
	[tilespmem:s7+$0xFFFFFEC0] =	vst v7;
	v8 =	vsub.f32 v12, v10;
	v6 =	vld [tilespmem:s10+$0x70];
	s10 =	smov.u32 s18;
	(pc) =	sbr.rel @p1 .LBB2_3-.Ltmp2, $4  }
0x1bf: {  	v7 =	vld [tilespmem:s12+$0xFFFFFF50];
	[tilespmem:s7+$0xFFFFFF40] =	vst v11  }
0x1c0: {  	v12 =	vsub.f32 $1.000000000e+00, v4;
	v10 =	vld [tilespmem:s18+$0xFFFFFF50];
	[tilespmem:s7+$0xFFFFFFC0] =	vst v15;
	v11 =	vmul.f32 v8, v9  }
0x1c1: {  	v9 =	vld [tilespmem:s12+$0xFFFFFFD0];
	[tilespmem:s7+$0x40] =	vst v4  }
0x1c2: {  	s12 =	sadd.s32 $0x200, s12;
	v8 =	vld [tilespmem:s18+$0xFFFFFFD0];
	[tilespmem:s7+$0xC0] =	vst v12;
	v12 =	vsub.f32 $1.000000000e+00, v11;
	v4 =	vsub.f32 v14, v13  }
0x1c3: {  	_ =	sdelay $0x3  }
0x1c4: {  	[tilespmem:s7+$0x150] =	vst v11;
	v11 =	vld [tilespmem:s17+$0x50]  }
0x1c5: {  	v13 =	vld.idx.msk [tilespmem:v7+s26+$0x0], $0xffff  }
0x1c6: {  	v7 =	vld.idx.msk [tilespmem:v7+s28+$0x0], $0xffff  }
0x1c7: {  	[tilespmem:s7+$0x1D0] =	vst v12;
	v14 =	vld.idx.msk [tilespmem:v9+s26+$0x0], $0xffff  }
0x1c8: {  	v12 =	vld [tilespmem:s17+$0xE0]  }
0x1c9: {  	v9 =	vld.idx.msk [tilespmem:v9+s28+$0x0], $0xffff;
	_ =	sdelay $0x1  }
0x1ca: {  	v15 =	vld [tilespmem:s10+$0x50];
	v10 =	vsub.f32 v10, v13  }
0x1cb: {  	v13 =	vld.idx.msk [tilespmem:v11+s26+$0x0], $0xffff;
	v8 =	vsub.f32 v8, v14  }
0x1cc: {  	v7 =	vmul.f32 v10, v7  }
0x1cd: {  	v10 =	vld.idx.msk [tilespmem:v11+s28+$0x0], $0xffff;
	v8 =	vmul.f32 v8, v9  }
0x1ce: {  	[tilespmem:s9+$0xFFFFFE50] =	vst v7;
	v7 =	vsub.f32 $1.000000000e+00, v7  }
0x1cf: {  	[tilespmem:s9+$0xFFFFFF50] =	vst v8  }
0x1d0: {  	v9 =	vld.idx.msk [tilespmem:v12+s26+$0x0], $0xffff;
	v8 =	vsub.f32 $1.000000000e+00, v8;
	[tilespmem:s9+$0xFFFFFED0] =	vst v7;
	v11 =	vsub.f32 v15, v13  }
0x1d1: {  	v7 =	vld [tilespmem:s17+$0xFFFFFF60]  }
0x1d2: {  	[tilespmem:s9+$0xFFFFFFD0] =	vst v8;
	v8 =	vmul.f32 v11, v10;
	v11 =	vld [tilespmem:s10+$0xE0]  }
0x1d3: {  	v10 =	vld [tilespmem:s17+$0xFFFFFFE0]  }
0x1d4: {  	v12 =	vld.idx.msk [tilespmem:v12+s28+$0x0], $0xffff;
	v13 =	vsub.f32 $1.000000000e+00, v8  }
0x1d5: {  	[tilespmem:s9+$0x50] =	vst v8  }
0x1d6: {  	v15 =	vld [tilespmem:s10+$0xFFFFFFE0];
	[tilespmem:s9+$0xD0] =	vst v13  }
0x1d7: {  	v8 =	vsub.f32 v11, v9;
	v9 =	vld [tilespmem:s17+$0x60]  }
0x1d8: {  	v13 =	vld [tilespmem:s10+$0xFFFFFF60]  }
0x1d9: {  	v11 =	vld.idx.msk [tilespmem:v7+s26+$0x0], $0xffff;
	v8 =	vmul.f32 v8, v12  }
0x1da: {  	v7 =	vld.idx.msk [tilespmem:v7+s28+$0x0], $0xffff  }
0x1db: {  	v12 =	vld.idx.msk [tilespmem:v10+s26+$0x0], $0xffff;
	v14 =	vsub.f32 $1.000000000e+00, v8  }
0x1dc: {  	[tilespmem:s9+$0x160] =	vst v8;
	v8 =	vld.idx.msk [tilespmem:v10+s28+$0x0], $0xffff  }
0x1dd: {  	[tilespmem:s9+$0x1E0] =	vst v14;
	v14 =	vld [tilespmem:s10+$0x60]  }
0x1de: {  	v11 =	vsub.f32 v13, v11;
	v10 =	vld [tilespmem:s17+$0xF0]  }
0x1df: {  	v13 =	vld.idx.msk [tilespmem:v9+s26+$0x0], $0xffff  }
0x1e0: {  	v12 =	vsub.f32 v15, v12;
	v7 =	vmul.f32 v11, v7  }
0x1e1: {  	v9 =	vld.idx.msk [tilespmem:v9+s28+$0x0], $0xffff  }
0x1e2: {  	v8 =	vmul.f32 v12, v8;
	v11 =	vsub.f32 $1.000000000e+00, v7  }
0x1e3: {  	v1 =	vld.idx.msk [tilespmem:v1+s28+$0x0], $0xffff;
	[tilespmem:s9+$0xFFFFFE60] =	vst v7  }
0x1e4: {  	v2 =	vld.idx.msk [tilespmem:v2+s28+$0x0], $0xffff;
	v12 =	vsub.f32 $1.000000000e+00, v8;
	[tilespmem:s9+$0xFFFFFEE0] =	vst v11;
	v13 =	vsub.f32 v14, v13  }
0x1e5: {  	v7 =	vld [tilespmem:s17+$0xFFFFFF70]  }
0x1e6: {  	[tilespmem:s9+$0xFFFFFFE0] =	vst v12;
	v12 =	vld [tilespmem:s10+$0xF0];
	v9 =	vmul.f32 v13, v9  }
0x1e7: {  	[tilespmem:s9+$0xFFFFFF60] =	vst v8;
	v11 =	vld.idx.msk [tilespmem:v10+s26+$0x0], $0xffff  }
0x1e8: {  	v13 =	vld [tilespmem:s17+$0xFFFFFFF0];
	v8 =	vsub.f32 $1.000000000e+00, v9  }
0x1e9: {  	v0 =	vld.idx.msk [tilespmem:v0+s28+$0x0], $0xffff;
	[tilespmem:s9+$0x60] =	vst v9  }
0x1ea: {  	v10 =	vld.idx.msk [tilespmem:v10+s28+$0x0], $0xffff;
	[tilespmem:s9+$0xE0] =	vst v8  }
0x1eb: {  	v8 =	vld [tilespmem:s17+$0x70]  }
0x1ec: {  	v9 =	vsub.f32 v12, v11;
	v11 =	vld [tilespmem:s10+$0xFFFFFF70]  }
0x1ed: {  	v12 =	vld.idx.msk [tilespmem:v7+s26+$0x0], $0xffff  }
0x1ee: {  	v1 =	vmul.f32 v3, v1;
	v3 =	vld [tilespmem:s10+$0xFFFFFFF0]  }
0x1ef: {  	v2 =	vmul.f32 v4, v2;
	v4 =	vld.idx.msk [tilespmem:v7+s28+$0x0], $0xffff;
	v9 =	vmul.f32 v9, v10  }
0x1f0: {  	v7 =	vsub.f32 $1.000000000e+00, v1;
	v10 =	vld.idx.msk [tilespmem:v13+s26+$0x0], $0xffff  }
0x1f1: {  	v5 =	vsub.f32 v6, v5;
	v14 =	vsub.f32 $1.000000000e+00, v9;
	[tilespmem:s9+$0x170] =	vst v9;
	v9 =	vld.idx.msk [tilespmem:v13+s28+$0x0], $0xffff  }
0x1f2: {  	[tilespmem:s16+$0xFFFFFEF0] =	vst v7;
	v7 =	vsub.f32 v11, v12;
	v11 =	vld [tilespmem:s10+$0x70]  }
0x1f3: {  	v0 =	vmul.f32 v5, v0;
	[tilespmem:s16+$0xFFFFFE70] =	vst v1;
	v13 =	vld.idx.msk [tilespmem:v8+s26+$0x0], $0xffff  }
0x1f4: {  	v6 =	vsub.f32 $1.000000000e+00, v2;
	[tilespmem:s16+$0xFFFFFF70] =	vst v2  }
0x1f5: {  	v2 =	vsub.f32 $1.000000000e+00, v0;
	[tilespmem:s16+$0x70] =	vst v0;
	v1 =	vmul.f32 v7, v4;
	v4 =	vld.idx.msk [tilespmem:v8+s28+$0x0], $0xffff  }
0x1f6: {  	[tilespmem:s16+$0xFFFFFFF0] =	vst v6;
	v3 =	vsub.f32 v3, v10  }
0x1f7: {  	[tilespmem:s16+$0xF0] =	vst v2  }
0x1f8: {  	[tilespmem:s9+$0x1F0] =	vst v14;
	v3 =	vmul.f32 v3, v9;
	v0 =	vsub.f32 $1.000000000e+00, v1;
	v2 =	vsub.f32 v11, v13  }
0x1f9: {  	[tilespmem:s9+$0xFFFFFE70] =	vst v1  }
0x1fa: {  	v5 =	vsub.f32 $1.000000000e+00, v3;
	[tilespmem:s9+$0xFFFFFEF0] =	vst v0;
	v0 =	vmul.f32 v2, v4  }
0x1fb: {  	[tilespmem:s9+$0xFFFFFF70] =	vst v3  }
0x1fc: {  	p1 =	seq.s32 s3, $0x3;
	[tilespmem:s9+$0xFFFFFFF0] =	vst v5;
	v1 =	vsub.f32 $1.000000000e+00, v0  }
0x1fd: {  	s7 =	sshrl.u32 @!p1 s15, $0x3;
	s16 =	sshrl.u32 s15, $0x2;
	[tilespmem:s9+$0x70] =	vst v0  }
0x1fe: {  	s7 =	sadd.s32 @!p1 $0x800, s7;
	s11 =	sadd.s32 s4, s16;
	[tilespmem:s9+$0xF0] =	vst v1  }
0x1ff: {  	[hbm4b:s11+s6] =	stream.linear.scatter [tilespmem:s29], [sflag:$0x5], $0x4000, $0x38;
	[tilespmem:$0x10280] =	vst v63  }
0x200: {  	s10 =	simm.s32 @!p1 $0x0;
	s9 =	sadd.s32 @!p1 s1, s7;
	s11 =	simm.s32 @!p1 $0x280  }
0x201: {  	[tilespmem:s11], [sflag:$0x1] =	stream.linear.gather @!p1 [hbm4b:s9+s10], $0x2000, $0x38;
	[tilespmem:$0x10280] =	vst v63  }
0x202: {  	s7 =	sadd.s32 @!p1 s2, s7;
	s9 =	simm.s32 @!p1 $0x4280  }
0x203: {  	[tilespmem:s9], [sflag:$0x3] =	stream.linear.gather @!p1 [hbm4b:s7+s10], $0x2000, $0x38;
	[tilespmem:$0x10280] =	vst v63  }
0x204: {  	_ =	swait.ge [sflag:s30], $0x2000  }
0x205: {  	[sflag:s30] =	ssyncset.done $0x0  }
0x206: {  	[sflag:s30] =	ssyncadd.s32 $0xFFFFE000  }
0x207: {  	_ =	swait.ge [sflag:s31], $0x2000  }
0x208: {  	[sflag:s31] =	ssyncset.done $0x0  }
0x209: {  	s7 =	simm.s32 @!p0 $0x6;
	[sflag:s31] =	ssyncadd.s32 $0xFFFFE000  }
0x20a: {  	_ =	swait.ge @!p0 [sflag:s7], $0x4000  }
0x20b: {  	[sflag:s7] =	ssyncset.done @!p0 $0x0  }
0x20c: {  	s12 =	simm.s32 $0x6380;
	[sflag:s7] =	ssyncadd.s32 @!p0 $0xFFFFC000  }
0x20d: {  	v0 =	vld [tilespmem:s12+$0x80];
	_ =	sdelay $0x4  }
0x20e: {  	s13 =	simm.s32 $0x2380;
	v1 =	vld [tilespmem:s12+$0xFFFFFF80]  }
0x20f: {  	v3 =	vld [tilespmem:s13+$0x80]  }
0x210: {  	v5 =	vld [tilespmem:s12+$0x0]  }
0x211: {  	v4 =	vld.idx.msk [tilespmem:v0+s26+$0x0], $0xffff  }
0x212: {  	v2 =	vld [tilespmem:s12+$0xFFFFFF00]  }
0x213: {  	v0 =	vld.idx.msk [tilespmem:v0+s28+$0x0], $0xffff;
	_ =	sdelay $0x2  }
0x214: {  	v8 =	vld [tilespmem:s13+$0xFFFFFF80];
	v3 =	vsub.f32 v3, v4  }
0x215: {  	v9 =	vld [tilespmem:s13+$0x0]  }
0x216: {  	v7 =	vld.idx.msk [tilespmem:v5+s26+$0x0], $0xffff;
	v0 =	vmul.f32 v3, v0  }
0x217: {  	v4 =	vld.idx.msk [tilespmem:v1+s26+$0x0], $0xffff  }
0x218: {  	s17 =	simm.s32 $0xC480;
	v3 =	vld.idx.msk [tilespmem:v2+s26+$0x0], $0xffff;
	v6 =	vsub.f32 $1.000000000e+00, v0  }
0x219: {  	[tilespmem:s17+$0x100] =	vst v0;
	v0 =	vld [tilespmem:s13+$0xFFFFFF00]  }
0x21a: {  	v2 =	vld.idx.msk [tilespmem:v2+s28+$0x0], $0xffff;
	[tilespmem:s17+$0x180] =	vst v6  }
0x21b: {  	v6 =	vld [tilespmem:s12+$0x90]  }
0x21c: {  	v5 =	vld.idx.msk [tilespmem:v5+s28+$0x0], $0xffff  }
0x21d: {  	v1 =	vld.idx.msk [tilespmem:v1+s28+$0x0], $0xffff  }
0x21e: {  	v0 =	vsub.f32 v0, v3;
	_ =	sdelay $0x1  }
0x21f: {  	v3 =	vsub.f32 v8, v4;
	v4 =	vsub.f32 v9, v7;
	v0 =	vmul.f32 v0, v2;
	_ =	sdelay $0x1  }
0x220: {  	v1 =	vmul.f32 v3, v1;
	v3 =	vld [tilespmem:s13+$0x90];
	v4 =	vmul.f32 v4, v5;
	[tilespmem:s17+$0xFFFFFE00] =	vst v0;
	v0 =	vsub.f32 $1.000000000e+00, v0  }
0x221: {  	v2 =	vld.idx.msk [tilespmem:v6+s26+$0x0], $0xffff  }
0x222: {  	[tilespmem:s17+$0xFFFFFE80] =	vst v0;
	v0 =	vsub.f32 $1.000000000e+00, v4  }
0x223: {  	[tilespmem:s17+$0xFFFFFF00] =	vst v1;
	v5 =	vld.idx.msk [tilespmem:v6+s28+$0x0], $0xffff  }
0x224: {  	v1 =	vsub.f32 $1.000000000e+00, v1;
	[tilespmem:s17+$0x80] =	vst v0;
	v0 =	vld [tilespmem:s12+$0xFFFFFF10];
	_ =	sdelay $0x1  }
0x225: {  	[tilespmem:s17+$0xFFFFFF80] =	vst v1;
	v1 =	vsub.f32 v3, v2  }
0x226: {  	[tilespmem:s17+$0x0] =	vst v4;
	v2 =	vld [tilespmem:s12+$0xFFFFFF90]  }
0x227: {  	v3 =	vld [tilespmem:s12+$0x10];
	v1 =	vmul.f32 v1, v5  }
0x228: {  	v4 =	vld [tilespmem:s13+$0xFFFFFF10]  }
0x229: {  	v6 =	vld [tilespmem:s13+$0xFFFFFF90];
	v5 =	vsub.f32 $1.000000000e+00, v1  }
0x22a: {  	[tilespmem:s17+$0x110] =	vst v1;
	v1 =	vld [tilespmem:s13+$0x10]  }
0x22b: {  	v7 =	vld.idx.msk [tilespmem:v0+s26+$0x0], $0xffff;
	[tilespmem:s17+$0x190] =	vst v5  }
0x22c: {  	v5 =	vld [tilespmem:s12+$0xA0]  }
0x22d: {  	v0 =	vld.idx.msk [tilespmem:v0+s28+$0x0], $0xffff  }
0x22e: {  	v8 =	vld.idx.msk [tilespmem:v2+s26+$0x0], $0xffff  }
0x22f: {  	v9 =	vld.idx.msk [tilespmem:v3+s26+$0x0], $0xffff  }
0x230: {  	v2 =	vld.idx.msk [tilespmem:v2+s28+$0x0], $0xffff  }
0x231: {  	v3 =	vld.idx.msk [tilespmem:v3+s28+$0x0], $0xffff;
	v4 =	vsub.f32 v4, v7;
	_ =	sdelay $0x1  }
0x232: {  	v0 =	vmul.f32 v4, v0;
	v4 =	vld [tilespmem:s13+$0xA0];
	v6 =	vsub.f32 v6, v8  }
0x233: {  	v1 =	vsub.f32 v1, v9;
	v7 =	vld.idx.msk [tilespmem:v5+s26+$0x0], $0xffff  }
0x234: {  	v2 =	vmul.f32 v6, v2  }
0x235: {  	[tilespmem:s17+$0xFFFFFE10] =	vst v0;
	v0 =	vsub.f32 $1.000000000e+00, v0;
	v1 =	vmul.f32 v1, v3;
	v3 =	vld.idx.msk [tilespmem:v5+s28+$0x0], $0xffff  }
0x236: {  	[tilespmem:s17+$0xFFFFFF10] =	vst v2;
	v2 =	vsub.f32 $1.000000000e+00, v2  }
0x237: {  	[tilespmem:s17+$0xFFFFFE90] =	vst v0  }
0x238: {  	v0 =	vsub.f32 $1.000000000e+00, v1;
	[tilespmem:s17+$0xFFFFFF90] =	vst v2;
	v2 =	vsub.f32 v4, v7  }
0x239: {  	[tilespmem:s17+$0x10] =	vst v1;
	v4 =	vld [tilespmem:s12+$0xFFFFFF20]  }
0x23a: {  	[tilespmem:s17+$0x90] =	vst v0;
	v0 =	vld [tilespmem:s12+$0xFFFFFFA0];
	v1 =	vmul.f32 v2, v3  }
0x23b: {  	v5 =	vld [tilespmem:s13+$0xFFFFFF20]  }
0x23c: {  	v6 =	vld [tilespmem:s13+$0x20];
	v3 =	vsub.f32 $1.000000000e+00, v1  }
0x23d: {  	v2 =	vld [tilespmem:s12+$0x20];
	[tilespmem:s17+$0x120] =	vst v1  }
0x23e: {  	v1 =	vld [tilespmem:s13+$0xFFFFFFA0];
	[tilespmem:s17+$0x1A0] =	vst v3  }
0x23f: {  	v3 =	vld [tilespmem:s12+$0xB0]  }
0x240: {  	v11 =	vld [tilespmem:s13+$0xB0]  }
0x241: {  	v7 =	vld.idx.msk [tilespmem:v4+s26+$0x0], $0xffff  }
0x242: {  	v8 =	vld.idx.msk [tilespmem:v0+s26+$0x0], $0xffff  }
0x243: {  	v4 =	vld.idx.msk [tilespmem:v4+s28+$0x0], $0xffff  }
0x244: {  	v0 =	vld.idx.msk [tilespmem:v0+s28+$0x0], $0xffff  }
0x245: {  	v9 =	vld.idx.msk [tilespmem:v2+s26+$0x0], $0xffff  }
0x246: {  	v2 =	vld.idx.msk [tilespmem:v2+s28+$0x0], $0xffff  }
0x247: {  	v10 =	vld.idx.msk [tilespmem:v3+s26+$0x0], $0xffff  }
0x248: {  	v5 =	vsub.f32 v5, v7  }
0x249: {  	v1 =	vsub.f32 v1, v8;
	v3 =	vld.idx.msk [tilespmem:v3+s28+$0x0], $0xffff  }
0x24a: {  	v6 =	vsub.f32 v6, v9;
	v4 =	vmul.f32 v5, v4  }
0x24b: {  	v0 =	vmul.f32 v1, v0  }
0x24c: {  	[tilespmem:s17+$0xFFFFFE20] =	vst v4;
	v1 =	vsub.f32 $1.000000000e+00, v4;
	v2 =	vmul.f32 v6, v2;
	v4 =	vsub.f32 v11, v10  }
0x24d: {  	[tilespmem:s17+$0xFFFFFF20] =	vst v0;
	v0 =	vsub.f32 $1.000000000e+00, v0  }
0x24e: {  	[tilespmem:s17+$0xFFFFFEA0] =	vst v1;
	v1 =	vsub.f32 $1.000000000e+00, v2;
	v3 =	vmul.f32 v4, v3  }
0x24f: {  	[tilespmem:s17+$0xFFFFFFA0] =	vst v0;
	v4 =	vld [tilespmem:s12+$0xFFFFFF30]  }
0x250: {  	v0 =	vld [tilespmem:s12+$0xFFFFFFB0];
	[tilespmem:s17+$0xA0] =	vst v1;
	v1 =	vsub.f32 $1.000000000e+00, v3  }
0x251: {  	[tilespmem:s17+$0x130] =	vst v3  }
0x252: {  	v5 =	vld [tilespmem:s13+$0xFFFFFFB0];
	[tilespmem:s17+$0x1B0] =	vst v1  }
0x253: {  	[tilespmem:s17+$0x20] =	vst v2;
	v1 =	vld [tilespmem:s12+$0xC0]  }
0x254: {  	v2 =	vld [tilespmem:s12+$0x30]  }
0x255: {  	v6 =	vld [tilespmem:s13+$0x30]  }
0x256: {  	v3 =	vld [tilespmem:s13+$0xFFFFFF30]  }
0x257: {  	v7 =	vld.idx.msk [tilespmem:v4+s26+$0x0], $0xffff  }
0x258: {  	v8 =	vld.idx.msk [tilespmem:v0+s26+$0x0], $0xffff  }
0x259: {  	v4 =	vld.idx.msk [tilespmem:v4+s28+$0x0], $0xffff  }
0x25a: {  	v0 =	vld.idx.msk [tilespmem:v0+s28+$0x0], $0xffff  }
0x25b: {  	v9 =	vld.idx.msk [tilespmem:v1+s26+$0x0], $0xffff  }
0x25c: {  	v3 =	vsub.f32 v3, v7;
	v7 =	vld [tilespmem:s13+$0xC0]  }
0x25d: {  	v10 =	vld.idx.msk [tilespmem:v2+s26+$0x0], $0xffff  }
0x25e: {  	v5 =	vsub.f32 v5, v8;
	v1 =	vld.idx.msk [tilespmem:v1+s28+$0x0], $0xffff;
	v3 =	vmul.f32 v3, v4  }
0x25f: {  	v2 =	vld.idx.msk [tilespmem:v2+s28+$0x0], $0xffff  }
0x260: {  	v0 =	vmul.f32 v5, v0;
	v4 =	vsub.f32 $1.000000000e+00, v3  }
0x261: {  	[tilespmem:s17+$0xFFFFFE30] =	vst v3;
	v3 =	vsub.f32 v7, v9  }
0x262: {  	v5 =	vsub.f32 v6, v10;
	[tilespmem:s17+$0xFFFFFEB0] =	vst v4;
	v4 =	vsub.f32 $1.000000000e+00, v0  }
0x263: {  	[tilespmem:s17+$0xFFFFFF30] =	vst v0;
	v6 =	vld [tilespmem:s12+$0xFFFFFF40];
	v0 =	vmul.f32 v3, v1  }
0x264: {  	v1 =	vmul.f32 v5, v2;
	[tilespmem:s17+$0xFFFFFFB0] =	vst v4  }
0x265: {  	v2 =	vld [tilespmem:s12+$0xFFFFFFC0];
	v3 =	vsub.f32 $1.000000000e+00, v0  }
0x266: {  	v4 =	vsub.f32 $1.000000000e+00, v1;
	[tilespmem:s17+$0x140] =	vst v0  }
0x267: {  	v0 =	vld [tilespmem:s13+$0xFFFFFF40];
	[tilespmem:s17+$0x1C0] =	vst v3  }
0x268: {  	[tilespmem:s17+$0xB0] =	vst v4;
	v4 =	vld [tilespmem:s13+$0xFFFFFFC0]  }
0x269: {  	[tilespmem:s17+$0x30] =	vst v1;
	v3 =	vld [tilespmem:s12+$0xD0]  }
0x26a: {  	v1 =	vld [tilespmem:s12+$0x40]  }
0x26b: {  	v5 =	vld.idx.msk [tilespmem:v6+s26+$0x0], $0xffff  }
0x26c: {  	v6 =	vld.idx.msk [tilespmem:v6+s28+$0x0], $0xffff  }
0x26d: {  	s7 =	simm.s32 $0x2580;
	v7 =	vld.idx.msk [tilespmem:v2+s26+$0x0], $0xffff  }
0x26e: {  	v17 =	vld [tilespmem:s7+$0xFFFFFF00]  }
0x26f: {  	v2 =	vld.idx.msk [tilespmem:v2+s28+$0x0], $0xffff  }
0x270: {  	v8 =	vld [tilespmem:s13+$0xD0];
	v0 =	vsub.f32 v0, v5  }
0x271: {  	v5 =	vld.idx.msk [tilespmem:v3+s26+$0x0], $0xffff  }
0x272: {  	v9 =	vld [tilespmem:s13+$0x40];
	v0 =	vmul.f32 v0, v6;
	v4 =	vsub.f32 v4, v7  }
0x273: {  	v3 =	vld.idx.msk [tilespmem:v3+s28+$0x0], $0xffff  }
0x274: {  	v6 =	vld.idx.msk [tilespmem:v1+s26+$0x0], $0xffff;
	v7 =	vsub.f32 $1.000000000e+00, v0;
	v2 =	vmul.f32 v4, v2  }
0x275: {  	v11 =	vld [tilespmem:s7+$0x80];
	[tilespmem:s17+$0xFFFFFE40] =	vst v0  }
0x276: {  	v0 =	vld.idx.msk [tilespmem:v1+s28+$0x0], $0xffff;
	v4 =	vsub.f32 v8, v5;
	[tilespmem:s17+$0xFFFFFEC0] =	vst v7;
	v1 =	vsub.f32 $1.000000000e+00, v2  }
0x277: {  	[tilespmem:s17+$0xFFFFFF40] =	vst v2;
	v5 =	vld [tilespmem:s12+$0xFFFFFF50]  }
0x278: {  	v2 =	vld [tilespmem:s13+$0xFFFFFF50];
	[tilespmem:s17+$0xFFFFFFC0] =	vst v1;
	v1 =	vmul.f32 v4, v3  }
0x279: {  	v3 =	vsub.f32 v9, v6;
	v4 =	vld [tilespmem:s12+$0xFFFFFFD0]  }
0x27a: {  	s18 =	simm.s32 $0x6580;
	v6 =	vld [tilespmem:s13+$0xFFFFFFD0];
	v7 =	vsub.f32 $1.000000000e+00, v1  }
0x27b: {  	v0 =	vmul.f32 v3, v0;
	v3 =	vld [tilespmem:s18+$0x80];
	[tilespmem:s17+$0x150] =	vst v1  }
0x27c: {  	v1 =	vld [tilespmem:s18+$0xFFFFFF80];
	[tilespmem:s17+$0x1D0] =	vst v7  }
0x27d: {  	v7 =	vsub.f32 $1.000000000e+00, v0;
	[tilespmem:s17+$0x40] =	vst v0;
	v0 =	vld [tilespmem:s18+$0x0]  }
0x27e: {  	v8 =	vld [tilespmem:s12+$0xE0]  }
0x27f: {  	v14 =	vld [tilespmem:s13+$0xE0]  }
0x280: {  	[tilespmem:s17+$0xC0] =	vst v7;
	v7 =	vld [tilespmem:s18+$0xFFFFFF00]  }
0x281: {  	v9 =	vld [tilespmem:s12+$0x50]  }
0x282: {  	v10 =	vld.idx.msk [tilespmem:v5+s26+$0x0], $0xffff  }
0x283: {  	v20 =	vld [tilespmem:s13+$0x50]  }
0x284: {  	v5 =	vld.idx.msk [tilespmem:v5+s28+$0x0], $0xffff  }
0x285: {  	v12 =	vld.idx.msk [tilespmem:v3+s26+$0x0], $0xffff  }
0x286: {  	v46 =	vld.idx.msk [tilespmem:v4+s26+$0x0], $0xffff  }
0x287: {  	v3 =	vld.idx.msk [tilespmem:v3+s28+$0x0], $0xffff  }
0x288: {  	v13 =	vld.idx.msk [tilespmem:v8+s26+$0x0], $0xffff  }
0x289: {  	v16 =	vld.idx.msk [tilespmem:v1+s26+$0x0], $0xffff  }
0x28a: {  	v8 =	vld.idx.msk [tilespmem:v8+s28+$0x0], $0xffff;
	v11 =	vsub.f32 v11, v12  }
0x28b: {  	v1 =	vld.idx.msk [tilespmem:v1+s28+$0x0], $0xffff  }
0x28c: {  	v15 =	vld.idx.msk [tilespmem:v7+s26+$0x0], $0xffff;
	v3 =	vmul.f32 v11, v3  }
0x28d: {  	v7 =	vld.idx.msk [tilespmem:v7+s28+$0x0], $0xffff;
	v11 =	vsub.f32 v14, v13  }
0x28e: {  	s9 =	simm.s32 $0xC880;
	v12 =	vld.idx.msk [tilespmem:v0+s26+$0x0], $0xffff;
	v18 =	vsub.f32 $1.000000000e+00, v3  }
0x28f: {  	v13 =	vld [tilespmem:s7+$0xFFFFFF80];
	[tilespmem:s9+$0x100] =	vst v3;
	v8 =	vmul.f32 v11, v8  }
0x290: {  	v14 =	vld [tilespmem:s7+$0x0];
	[tilespmem:s9+$0x180] =	vst v18  }
0x291: {  	v2 =	vsub.f32 v2, v10;
	v3 =	vsub.f32 $1.000000000e+00, v8;
	[tilespmem:s17+$0x160] =	vst v8;
	v8 =	vld [tilespmem:s18+$0x90]  }
0x292: {  	v0 =	vld.idx.msk [tilespmem:v0+s28+$0x0], $0xffff  }
0x293: {  	v2 =	vmul.f32 v2, v5;
	v19 =	vld.idx.msk [tilespmem:v9+s26+$0x0], $0xffff  }
0x294: {  	v13 =	vsub.f32 v13, v16;
	[tilespmem:s17+$0x1E0] =	vst v3;
	v3 =	vsub.f32 v17, v15;
	v15 =	vld.idx.msk [tilespmem:v4+s28+$0x0], $0xffff  }
0x295: {  	[tilespmem:s17+$0xFFFFFE50] =	vst v2;
	v2 =	vsub.f32 $1.000000000e+00, v2;
	v11 =	vld [tilespmem:s12+$0xF0]  }
0x296: {  	v4 =	vsub.f32 v14, v12;
	v1 =	vmul.f32 v13, v1;
	v13 =	vld [tilespmem:s7+$0x90]  }
0x297: {  	[tilespmem:s17+$0xFFFFFED0] =	vst v2;
	v3 =	vmul.f32 v3, v7;
	v7 =	vld.idx.msk [tilespmem:v9+s28+$0x0], $0xffff  }
0x298: {  	v0 =	vmul.f32 v4, v0;
	v4 =	vld [tilespmem:s13+$0xF0];
	[tilespmem:s9+$0xFFFFFF00] =	vst v1;
	v1 =	vsub.f32 $1.000000000e+00, v1  }
0x299: {  	[tilespmem:s9+$0xFFFFFE00] =	vst v3;
	v12 =	vsub.f32 $1.000000000e+00, v3;
	v9 =	vld.idx.msk [tilespmem:v8+s26+$0x0], $0xffff  }
0x29a: {  	[tilespmem:s9+$0xFFFFFF80] =	vst v1;
	v8 =	vld.idx.msk [tilespmem:v8+s28+$0x0], $0xffff  }
0x29b: {  	v1 =	vsub.f32 v6, v46;
	[tilespmem:s9+$0xFFFFFE80] =	vst v12;
	v2 =	vld [tilespmem:s7+$0xFFFFFF90]  }
0x29c: {  	v5 =	vld [tilespmem:s18+$0xFFFFFF10]  }
0x29d: {  	v10 =	vsub.f32 $1.000000000e+00, v0;
	[tilespmem:s9+$0x0] =	vst v0;
	v0 =	vmul.f32 v1, v15;
	v1 =	vld [tilespmem:s18+$0xFFFFFF90]  }
0x29e: {  	v12 =	vld [tilespmem:s12+$0xFFFFFF60]  }
0x29f: {  	[tilespmem:s9+$0x80] =	vst v10;
	v10 =	vld [tilespmem:s7+$0xFFFFFF10];
	v6 =	vsub.f32 v13, v9  }
0x2a0: {  	v3 =	vld.idx.msk [tilespmem:v11+s26+$0x0], $0xffff;
	[tilespmem:s17+$0xFFFFFF50] =	vst v0;
	v0 =	vsub.f32 $1.000000000e+00, v0  }
0x2a1: {  	v9 =	vld [tilespmem:s18+$0x10];
	v6 =	vmul.f32 v6, v8  }
0x2a2: {  	[tilespmem:s17+$0xFFFFFFD0] =	vst v0;
	v0 =	vld [tilespmem:s7+$0x10]  }
0x2a3: {  	v8 =	vsub.f32 $1.000000000e+00, v6;
	[tilespmem:s9+$0x110] =	vst v6;
	v6 =	vld [tilespmem:s12+$0xFFFFFFE0]  }
0x2a4: {  	v14 =	vsub.f32 v20, v19;
	v13 =	vld.idx.msk [tilespmem:v5+s26+$0x0], $0xffff  }
0x2a5: {  	v15 =	vld.idx.msk [tilespmem:v1+s26+$0x0], $0xffff  }
0x2a6: {  	v7 =	vmul.f32 v14, v7;
	v14 =	vld.idx.msk [tilespmem:v5+s28+$0x0], $0xffff;
	[tilespmem:s9+$0x190] =	vst v8  }
0x2a7: {  	v8 =	vld [tilespmem:s18+$0xA0]  }
0x2a8: {  	v1 =	vld.idx.msk [tilespmem:v1+s28+$0x0], $0xffff  }
0x2a9: {  	v48 =	vsub.f32 $1.000000000e+00, v7;
	v5 =	vld.idx.msk [tilespmem:v11+s28+$0x0], $0xffff  }
0x2aa: {  	[tilespmem:s17+$0x50] =	vst v7;
	v47 =	vld.idx.msk [tilespmem:v9+s26+$0x0], $0xffff  }
0x2ab: {  	[tilespmem:s17+$0xD0] =	vst v48;
	v9 =	vld.idx.msk [tilespmem:v9+s28+$0x0], $0xffff;
	v10 =	vsub.f32 v10, v13  }
0x2ac: {  	v13 =	vld [tilespmem:s12+$0x60]  }
0x2ad: {  	v7 =	vmul.f32 v10, v14;
	v10 =	vld [tilespmem:s7+$0xA0]  }
0x2ae: {  	v2 =	vsub.f32 v2, v15;
	v14 =	vld [tilespmem:s13+$0xFFFFFF60]  }
0x2af: {  	v11 =	vld.idx.msk [tilespmem:v8+s26+$0x0], $0xffff  }
0x2b0: {  	v1 =	vmul.f32 v2, v1;
	v0 =	vsub.f32 v0, v47;
	[tilespmem:s9+$0xFFFFFE10] =	vst v7;
	v2 =	vsub.f32 $1.000000000e+00, v7;
	v7 =	vld.idx.msk [tilespmem:v8+s28+$0x0], $0xffff  }
0x2b1: {  	v8 =	vld.idx.msk [tilespmem:v12+s26+$0x0], $0xffff  }
0x2b2: {  	v0 =	vmul.f32 v0, v9;
	v9 =	vld.idx.msk [tilespmem:v6+s26+$0x0], $0xffff  }
0x2b3: {  	[tilespmem:s9+$0xFFFFFF10] =	vst v1;
	v1 =	vsub.f32 $1.000000000e+00, v1;
	v12 =	vld.idx.msk [tilespmem:v12+s28+$0x0], $0xffff  }
0x2b4: {  	[tilespmem:s9+$0xFFFFFE90] =	vst v2;
	v6 =	vld.idx.msk [tilespmem:v6+s28+$0x0], $0xffff;
	v2 =	vsub.f32 $1.000000000e+00, v0  }
0x2b5: {  	[tilespmem:s9+$0xFFFFFF90] =	vst v1;
	v1 =	vsub.f32 v10, v11;
	v10 =	vld [tilespmem:s18+$0xFFFFFF20]  }
0x2b6: {  	[tilespmem:s9+$0x90] =	vst v2;
	v2 =	vld [tilespmem:s18+$0xFFFFFFA0]  }
0x2b7: {  	v15 =	vld [tilespmem:s7+$0xFFFFFF20];
	[tilespmem:s9+$0x10] =	vst v0;
	v0 =	vmul.f32 v1, v7  }
0x2b8: {  	v1 =	vld [tilespmem:s18+$0x20]  }
0x2b9: {  	v7 =	vld [tilespmem:s13+$0xFFFFFFE0];
	v11 =	vsub.f32 $1.000000000e+00, v0  }
0x2ba: {  	v49 =	vld [tilespmem:s7+$0x20];
	[tilespmem:s9+$0x120] =	vst v0  }
0x2bb: {  	v0 =	vld [tilespmem:s7+$0xFFFFFFA0];
	[tilespmem:s9+$0x1A0] =	vst v11  }
0x2bc: {  	v11 =	vld [tilespmem:s18+$0xB0]  }
0x2bd: {  	v50 =	vld.idx.msk [tilespmem:v10+s26+$0x0], $0xffff  }
0x2be: {  	v51 =	vld.idx.msk [tilespmem:v2+s26+$0x0], $0xffff;
	v7 =	vsub.f32 v7, v9  }
0x2bf: {  	v10 =	vld.idx.msk [tilespmem:v10+s28+$0x0], $0xffff  }
0x2c0: {  	v2 =	vld.idx.msk [tilespmem:v2+s28+$0x0], $0xffff;
	v6 =	vmul.f32 v7, v6  }
0x2c1: {  	v52 =	vld.idx.msk [tilespmem:v1+s26+$0x0], $0xffff  }
0x2c2: {  	v54 =	vld [tilespmem:s7+$0xB0];
	v58 =	vsub.f32 $1.000000000e+00, v6;
	v15 =	vsub.f32 v15, v50  }
0x2c3: {  	v1 =	vld.idx.msk [tilespmem:v1+s28+$0x0], $0xffff;
	[tilespmem:s17+$0xFFFFFF60] =	vst v6;
	v0 =	vsub.f32 v0, v51  }
0x2c4: {  	[tilespmem:s17+$0xFFFFFFE0] =	vst v58;
	v53 =	vld.idx.msk [tilespmem:v11+s26+$0x0], $0xffff;
	v10 =	vmul.f32 v15, v10  }
0x2c5: {  	v0 =	vmul.f32 v0, v2;
	v63 =	vld [tilespmem:s13+$0xFFFFFFF0]  }
0x2c6: {  	v16 =	vsub.f32 v49, v52;
	v2 =	vld.idx.msk [tilespmem:v11+s28+$0x0], $0xffff;
	[tilespmem:s9+$0xFFFFFE20] =	vst v10;
	v10 =	vsub.f32 $1.000000000e+00, v10  }
0x2c7: {  	v15 =	vld.idx.msk [tilespmem:v13+s26+$0x0], $0xffff;
	[tilespmem:s9+$0xFFFFFF20] =	vst v0;
	v0 =	vsub.f32 $1.000000000e+00, v0  }
0x2c8: {  	v11 =	vld [tilespmem:s13+$0x60];
	v1 =	vmul.f32 v16, v1;
	[tilespmem:s9+$0xFFFFFEA0] =	vst v10  }
0x2c9: {  	[tilespmem:s9+$0xFFFFFFA0] =	vst v0;
	v55 =	vsub.f32 v54, v53;
	v56 =	vld [tilespmem:s18+$0xFFFFFF30]  }
0x2ca: {  	v10 =	vsub.f32 $1.000000000e+00, v1;
	v0 =	vld [tilespmem:s18+$0xFFFFFFB0]  }
0x2cb: {  	[tilespmem:s9+$0x20] =	vst v1;
	v57 =	vld [tilespmem:s7+$0xFFFFFF30];
	v2 =	vmul.f32 v55, v2  }
0x2cc: {  	[tilespmem:s9+$0xA0] =	vst v10;
	v10 =	vld.idx.msk [tilespmem:v13+s28+$0x0], $0xffff  }
0x2cd: {  	v1 =	vld [tilespmem:s18+$0x30];
	v13 =	vsub.f32 $1.000000000e+00, v2  }
0x2ce: {  	v8 =	vsub.f32 v14, v8;
	v14 =	vld [tilespmem:s7+$0x30];
	[tilespmem:s9+$0x130] =	vst v2  }
0x2cf: {  	v2 =	vld [tilespmem:s7+$0xFFFFFFB0];
	[tilespmem:s9+$0x1B0] =	vst v13  }
0x2d0: {  	v13 =	vld [tilespmem:s18+$0xC0]  }
0x2d1: {  	v8 =	vmul.f32 v8, v12;
	v11 =	vsub.f32 v11, v15;
	v9 =	vld.idx.msk [tilespmem:v56+s26+$0x0], $0xffff  }
0x2d2: {  	v12 =	vld.idx.msk [tilespmem:v0+s26+$0x0], $0xffff  }
0x2d3: {  	v15 =	vsub.f32 $1.000000000e+00, v8;
	v10 =	vmul.f32 v11, v10;
	v7 =	vld.idx.msk [tilespmem:v56+s28+$0x0], $0xffff  }
0x2d4: {  	v0 =	vld.idx.msk [tilespmem:v0+s28+$0x0], $0xffff  }
0x2d5: {  	[tilespmem:s17+$0xFFFFFEE0] =	vst v15;
	v15 =	vsub.f32 $1.000000000e+00, v10;
	v11 =	vld.idx.msk [tilespmem:v1+s26+$0x0], $0xffff  }
0x2d6: {  	v59 =	vld.idx.msk [tilespmem:v1+s28+$0x0], $0xffff;
	v1 =	vsub.f32 v57, v9  }
0x2d7: {  	[tilespmem:s17+$0xE0] =	vst v15;
	v15 =	vld [tilespmem:s7+$0xC0]  }
0x2d8: {  	[tilespmem:s17+$0xFFFFFE60] =	vst v8;
	v2 =	vsub.f32 v2, v12;
	v9 =	vld.idx.msk [tilespmem:v13+s26+$0x0], $0xffff;
	v7 =	vmul.f32 v1, v7  }
0x2d9: {  	v12 =	vld [tilespmem:s13+$0xFFFFFF70]  }
0x2da: {  	[tilespmem:s17+$0x60] =	vst v10;
	v8 =	vld.idx.msk [tilespmem:v13+s28+$0x0], $0xffff;
	v6 =	vsub.f32 v14, v11;
	v11 =	vmul.f32 v2, v0;
	v10 =	vsub.f32 $1.000000000e+00, v7  }
0x2db: {  	v1 =	vld [tilespmem:s12+$0xFFFFFF70];
	[tilespmem:s9+$0xFFFFFE30] =	vst v7  }
0x2dc: {  	v2 =	vld [tilespmem:s12+$0xFFFFFFF0];
	v6 =	vmul.f32 v6, v59;
	v7 =	vsub.f32 $1.000000000e+00, v11;
	[tilespmem:s9+$0xFFFFFEB0] =	vst v10  }
0x2dd: {  	[tilespmem:s9+$0xFFFFFF30] =	vst v11;
	v9 =	vsub.f32 v15, v9;
	v10 =	vld [tilespmem:s18+$0xFFFFFF40]  }
0x2de: {  	v0 =	vld [tilespmem:s12+$0x70];
	v11 =	vsub.f32 $1.000000000e+00, v6;
	[tilespmem:s9+$0xFFFFFFB0] =	vst v7  }
0x2df: {  	[tilespmem:s9+$0x30] =	vst v6;
	v7 =	vmul.f32 v9, v8;
	v8 =	vld [tilespmem:s18+$0xFFFFFFC0]  }
0x2e0: {  	v13 =	vld [tilespmem:s7+$0xFFFFFF40];
	[tilespmem:s9+$0xB0] =	vst v11  }
0x2e1: {  	v11 =	vld [tilespmem:s18+$0x40];
	v6 =	vsub.f32 $1.000000000e+00, v7  }
0x2e2: {  	v9 =	vld [tilespmem:s7+$0xFFFFFFC0];
	[tilespmem:s9+$0x140] =	vst v7  }
0x2e3: {  	v7 =	vld [tilespmem:s7+$0x40];
	[tilespmem:s9+$0x1C0] =	vst v6  }
0x2e4: {  	v6 =	vld [tilespmem:s18+$0xD0]  }
0x2e5: {  	v15 =	vld.idx.msk [tilespmem:v10+s26+$0x0], $0xffff  }
0x2e6: {  	v10 =	vld.idx.msk [tilespmem:v10+s28+$0x0], $0xffff  }
0x2e7: {  	v60 =	vld.idx.msk [tilespmem:v8+s26+$0x0], $0xffff  }
0x2e8: {  	v8 =	vld.idx.msk [tilespmem:v8+s28+$0x0], $0xffff  }
0x2e9: {  	v3 =	vsub.f32 v4, v3;
	v4 =	vld.idx.msk [tilespmem:v11+s26+$0x0], $0xffff  }
0x2ea: {  	v11 =	vld.idx.msk [tilespmem:v11+s28+$0x0], $0xffff  }
0x2eb: {  	v3 =	vmul.f32 v3, v5;
	v5 =	vsub.f32 v13, v15;
	v15 =	vld [tilespmem:s7+$0xD0]  }
0x2ec: {  	v13 =	vld.idx.msk [tilespmem:v6+s26+$0x0], $0xffff  }
0x2ed: {  	v61 =	vsub.f32 $1.000000000e+00, v3;
	v14 =	vld.idx.msk [tilespmem:v1+s26+$0x0], $0xffff;
	v10 =	vmul.f32 v5, v10;
	v5 =	vsub.f32 v9, v60  }
0x2ee: {  	[tilespmem:s17+$0x170] =	vst v3;
	v9 =	vld.idx.msk [tilespmem:v6+s28+$0x0], $0xffff  }
0x2ef: {  	[tilespmem:s17+$0x1F0] =	vst v61;
	v62 =	vld.idx.msk [tilespmem:v2+s26+$0x0], $0xffff;
	v4 =	vsub.f32 v7, v4;
	v3 =	vsub.f32 $1.000000000e+00, v10;
	v8 =	vmul.f32 v5, v8  }
0x2f0: {  	v6 =	vld [tilespmem:s13+$0x70];
	[tilespmem:s9+$0xFFFFFE40] =	vst v10  }
0x2f1: {  	v5 =	vld.idx.msk [tilespmem:v0+s26+$0x0], $0xffff;
	v4 =	vmul.f32 v4, v11;
	[tilespmem:s9+$0xFFFFFEC0] =	vst v3;
	v3 =	vsub.f32 $1.000000000e+00, v8;
	v11 =	vsub.f32 v15, v13  }
0x2f2: {  	[tilespmem:s9+$0xFFFFFF40] =	vst v8;
	v7 =	vld [tilespmem:s18+$0xFFFFFF50]  }
0x2f3: {  	v10 =	vld [tilespmem:s7+$0xFFFFFF50];
	v13 =	vsub.f32 $1.000000000e+00, v4;
	[tilespmem:s9+$0xFFFFFFC0] =	vst v3;
	v11 =	vmul.f32 v11, v9  }
0x2f4: {  	s11 =	simm.s32 $0x2580;
	[tilespmem:s9+$0x40] =	vst v4;
	v4 =	vsub.f32 v63, v62;
	v9 =	vld [tilespmem:s18+$0xFFFFFFD0]  }
0x2f5: {  	s10 =	simm.s32 $0xC880;
	s12 =	simm.s32 $0x4;
	s13 =	simm.s32 $0x6780;
	v3 =	vsub.f32 v12, v14;
	v8 =	vld [tilespmem:s7+$0xFFFFFFD0];
	[tilespmem:s9+$0xC0] =	vst v13;
	v12 =	vsub.f32 $1.000000000e+00, v11  }
.LBB2_5:
0x2f6: {  	v13 =	vld [tilespmem:s13+$0x80];
	[tilespmem:s9+$0x150] =	vst v11;
	v5 =	vsub.f32 v6, v5  }
0x2f7: {  	v6 =	vld [tilespmem:s13+$0xFFFFFF80];
	[tilespmem:s9+$0x1D0] =	vst v12  }
0x2f8: {  	v11 =	vld [tilespmem:s18+$0xE0]  }
0x2f9: {  	v12 =	vld [tilespmem:s13+$0x0]  }
0x2fa: {  	s12 =	sadd.s32 $0x4, s12;
	v14 =	vld [tilespmem:s13+$0xFFFFFF00]  }
0x2fb: {  	p0 =	slt.u32 s12, $0x3C;
	v15 =	vld [tilespmem:s18+$0x50]  }
0x2fc: {  	s7 =	sadd.s32 $0x200, s7;
	v16 =	vld.idx.msk [tilespmem:v7+s26+$0x0], $0xffff  }
0x2fd: {  	v17 =	vld [tilespmem:s7+$0x80]  }
0x2fe: {  	v18 =	vld.idx.msk [tilespmem:v13+s26+$0x0], $0xffff  }
0x2ff: {  	v13 =	vld.idx.msk [tilespmem:v13+s28+$0x0], $0xffff  }
0x300: {  	v19 =	vld.idx.msk [tilespmem:v11+s26+$0x0], $0xffff  }
0x301: {  	v20 =	vld [tilespmem:s11+$0xE0]  }
0x302: {  	v10 =	vsub.f32 v10, v16;
	v11 =	vld.idx.msk [tilespmem:v11+s28+$0x0], $0xffff  }
0x303: {  	v16 =	vld.idx.msk [tilespmem:v14+s26+$0x0], $0xffff  }
0x304: {  	v17 =	vsub.f32 v17, v18;
	v21 =	vld.idx.msk [tilespmem:v6+s26+$0x0], $0xffff  }
0x305: {  	v18 =	vld.idx.msk [tilespmem:v12+s26+$0x0], $0xffff  }
0x306: {  	v13 =	vmul.f32 v17, v13;
	v22 =	vld [tilespmem:s7+$0xFFFFFF00];
	v17 =	vsub.f32 v20, v19  }
0x307: {  	v19 =	vld [tilespmem:s7+$0xFFFFFF80]  }
0x308: {  	s9 =	sadd.s32 $0x400, s9;
	v23 =	vsub.f32 $1.000000000e+00, v13;
	v20 =	vld [tilespmem:s7+$0x0];
	v11 =	vmul.f32 v17, v11  }
0x309: {  	v14 =	vld.idx.msk [tilespmem:v14+s28+$0x0], $0xffff;
	[tilespmem:s9+$0x100] =	vst v13  }
0x30a: {  	v6 =	vld.idx.msk [tilespmem:v6+s28+$0x0], $0xffff;
	[tilespmem:s9+$0x180] =	vst v23;
	v13 =	vsub.f32 $1.000000000e+00, v11  }
0x30b: {  	v16 =	vsub.f32 v22, v16;
	v12 =	vld.idx.msk [tilespmem:v12+s28+$0x0], $0xffff;
	[tilespmem:s10+$0x160] =	vst v11  }
0x30c: {  	v11 =	vsub.f32 v19, v21;
	v17 =	vld [tilespmem:s13+$0x90];
	[tilespmem:s10+$0x1E0] =	vst v13  }
0x30d: {  	v13 =	vsub.f32 v20, v18;
	v18 =	vld [tilespmem:s18+$0xF0]  }
0x30e: {  	v19 =	vld.idx.msk [tilespmem:v9+s26+$0x0], $0xffff  }
0x30f: {  	v14 =	vmul.f32 v16, v14;
	v16 =	vld.idx.msk [tilespmem:v15+s26+$0x0], $0xffff  }
0x310: {  	v6 =	vmul.f32 v11, v6;
	v11 =	vld [tilespmem:s11+$0x50]  }
0x311: {  	v12 =	vmul.f32 v13, v12;
	[tilespmem:s9+$0xFFFFFE00] =	vst v14;
	v14 =	vsub.f32 $1.000000000e+00, v14;
	v7 =	vld.idx.msk [tilespmem:v7+s28+$0x0], $0xffff  }
0x312: {  	[tilespmem:s9+$0xFFFFFF00] =	vst v6;
	v6 =	vsub.f32 $1.000000000e+00, v6;
	v9 =	vld.idx.msk [tilespmem:v9+s28+$0x0], $0xffff  }
0x313: {  	v13 =	vsub.f32 $1.000000000e+00, v12;
	[tilespmem:s9+$0xFFFFFE80] =	vst v14;
	v14 =	vld.idx.msk [tilespmem:v15+s28+$0x0], $0xffff  }
0x314: {  	v8 =	vsub.f32 v8, v19;
	[tilespmem:s9+$0xFFFFFF80] =	vst v6;
	v6 =	vld.idx.msk [tilespmem:v17+s26+$0x0], $0xffff  }
0x315: {  	[tilespmem:s9+$0x80] =	vst v13;
	v11 =	vsub.f32 v11, v16;
	v13 =	vld.idx.msk [tilespmem:v18+s26+$0x0], $0xffff  }
0x316: {  	[tilespmem:s9+$0x0] =	vst v12;
	v12 =	vld [tilespmem:s11+$0xF0]  }
0x317: {  	v7 =	vmul.f32 v10, v7;
	v10 =	vld.idx.msk [tilespmem:v18+s28+$0x0], $0xffff  }
0x318: {  	v8 =	vmul.f32 v8, v9;
	v15 =	vld [tilespmem:s7+$0x90]  }
0x319: {  	v11 =	vmul.f32 v11, v14;
	v9 =	vld.idx.msk [tilespmem:v17+s28+$0x0], $0xffff;
	[tilespmem:s10+$0xFFFFFE50] =	vst v7;
	v7 =	vsub.f32 $1.000000000e+00, v7  }
0x31a: {  	v14 =	vld [tilespmem:s13+$0xFFFFFF10];
	[tilespmem:s10+$0xFFFFFF50] =	vst v8;
	v8 =	vsub.f32 $1.000000000e+00, v8  }
0x31b: {  	v16 =	vld [tilespmem:s13+$0xFFFFFF90];
	[tilespmem:s10+$0xFFFFFED0] =	vst v7;
	v7 =	vsub.f32 $1.000000000e+00, v11;
	v12 =	vsub.f32 v12, v13  }
0x31c: {  	v13 =	vld [tilespmem:s13+$0x10];
	[tilespmem:s10+$0xFFFFFFD0] =	vst v8  }
0x31d: {  	v8 =	vld [tilespmem:s7+$0xFFFFFF10];
	v6 =	vsub.f32 v15, v6;
	[tilespmem:s10+$0xD0] =	vst v7;
	v7 =	vmul.f32 v12, v10  }
0x31e: {  	v10 =	vld [tilespmem:s7+$0xFFFFFF90];
	[tilespmem:s10+$0x50] =	vst v11  }
0x31f: {  	v11 =	vld [tilespmem:s7+$0x10];
	v6 =	vmul.f32 v6, v9;
	[tilespmem:s10+$0x170] =	vst v7;
	v7 =	vsub.f32 $1.000000000e+00, v7  }
0x320: {  	v9 =	vld [tilespmem:s18+$0xFFFFFF60]  }
0x321: {  	v12 =	vsub.f32 $1.000000000e+00, v6;
	v15 =	vld [tilespmem:s18+$0xFFFFFFE0];
	[tilespmem:s10+$0x1F0] =	vst v7  }
0x322: {  	v7 =	vld.idx.msk [tilespmem:v14+s26+$0x0], $0xffff;
	[tilespmem:s9+$0x110] =	vst v6  }
0x323: {  	v6 =	vld.idx.msk [tilespmem:v16+s26+$0x0], $0xffff;
	[tilespmem:s9+$0x190] =	vst v12  }
0x324: {  	v12 =	vld [tilespmem:s13+$0xA0]  }
0x325: {  	v17 =	vld.idx.msk [tilespmem:v13+s26+$0x0], $0xffff  }
0x326: {  	v14 =	vld.idx.msk [tilespmem:v14+s28+$0x0], $0xffff  }
0x327: {  	v16 =	vld.idx.msk [tilespmem:v16+s28+$0x0], $0xffff  }
0x328: {  	v7 =	vsub.f32 v8, v7;
	v8 =	vld.idx.msk [tilespmem:v13+s28+$0x0], $0xffff  }
0x329: {  	v6 =	vsub.f32 v10, v6;
	v10 =	vld [tilespmem:s18+$0x60]  }
0x32a: {  	v13 =	vld.idx.msk [tilespmem:v9+s26+$0x0], $0xffff  }
0x32b: {  	v11 =	vsub.f32 v11, v17;
	v17 =	vld.idx.msk [tilespmem:v15+s26+$0x0], $0xffff  }
0x32c: {  	v7 =	vmul.f32 v7, v14;
	v14 =	vld.idx.msk [tilespmem:v12+s26+$0x0], $0xffff  }
0x32d: {  	v6 =	vmul.f32 v6, v16;
	v16 =	vld [tilespmem:s7+$0xA0]  }
0x32e: {  	v8 =	vmul.f32 v11, v8;
	[tilespmem:s9+$0xFFFFFE10] =	vst v7;
	v7 =	vsub.f32 $1.000000000e+00, v7;
	v11 =	vld.idx.msk [tilespmem:v12+s28+$0x0], $0xffff  }
0x32f: {  	[tilespmem:s9+$0xFFFFFF10] =	vst v6;
	v6 =	vsub.f32 $1.000000000e+00, v6;
	v12 =	vld [tilespmem:s11+$0xFFFFFF60]  }
0x330: {  	[tilespmem:s9+$0xFFFFFE90] =	vst v7;
	v7 =	vsub.f32 $1.000000000e+00, v8;
	v18 =	vld [tilespmem:s11+$0xFFFFFFE0]  }
0x331: {  	v19 =	vld [tilespmem:s13+$0xFFFFFF20];
	[tilespmem:s9+$0xFFFFFF90] =	vst v6  }
0x332: {  	v6 =	vld [tilespmem:s13+$0xFFFFFFA0];
	[tilespmem:s9+$0x90] =	vst v7;
	v7 =	vsub.f32 v16, v14  }
0x333: {  	v14 =	vld [tilespmem:s7+$0xFFFFFF20];
	[tilespmem:s9+$0x10] =	vst v8  }
0x334: {  	v8 =	vld [tilespmem:s13+$0x20];
	v7 =	vmul.f32 v7, v11;
	v11 =	vsub.f32 v12, v13  }
0x335: {  	v12 =	vld [tilespmem:s7+$0xFFFFFFA0];
	v13 =	vsub.f32 v18, v17  }
0x336: {  	v16 =	vld [tilespmem:s7+$0x20];
	v17 =	vsub.f32 $1.000000000e+00, v7  }
0x337: {  	[tilespmem:s9+$0x120] =	vst v7;
	v7 =	vld.idx.msk [tilespmem:v10+s26+$0x0], $0xffff  }
0x338: {  	[tilespmem:s9+$0x1A0] =	vst v17;
	v17 =	vld [tilespmem:s11+$0x60]  }
0x339: {  	v18 =	vld [tilespmem:s13+$0xB0]  }
0x33a: {  	v20 =	vld.idx.msk [tilespmem:v19+s26+$0x0], $0xffff  }
0x33b: {  	v21 =	vld.idx.msk [tilespmem:v6+s26+$0x0], $0xffff  }
0x33c: {  	v22 =	vld.idx.msk [tilespmem:v8+s26+$0x0], $0xffff  }
0x33d: {  	v19 =	vld.idx.msk [tilespmem:v19+s28+$0x0], $0xffff;
	v7 =	vsub.f32 v17, v7  }
0x33e: {  	v6 =	vld.idx.msk [tilespmem:v6+s28+$0x0], $0xffff  }
0x33f: {  	v8 =	vld.idx.msk [tilespmem:v8+s28+$0x0], $0xffff  }
0x340: {  	v14 =	vsub.f32 v14, v20;
	v9 =	vld.idx.msk [tilespmem:v9+s28+$0x0], $0xffff  }
0x341: {  	v12 =	vsub.f32 v12, v21;
	v17 =	vld.idx.msk [tilespmem:v18+s26+$0x0], $0xffff  }
0x342: {  	v16 =	vsub.f32 v16, v22;
	v20 =	vld [tilespmem:s7+$0xB0]  }
0x343: {  	v14 =	vmul.f32 v14, v19;
	v18 =	vld.idx.msk [tilespmem:v18+s28+$0x0], $0xffff  }
0x344: {  	v6 =	vmul.f32 v12, v6;
	v12 =	vld.idx.msk [tilespmem:v15+s28+$0x0], $0xffff  }
0x345: {  	v8 =	vmul.f32 v16, v8;
	[tilespmem:s9+$0xFFFFFE20] =	vst v14;
	v14 =	vsub.f32 $1.000000000e+00, v14;
	v10 =	vld.idx.msk [tilespmem:v10+s28+$0x0], $0xffff  }
0x346: {  	v9 =	vmul.f32 v11, v9;
	[tilespmem:s9+$0xFFFFFF20] =	vst v6;
	v6 =	vsub.f32 $1.000000000e+00, v6;
	v1 =	vld.idx.msk [tilespmem:v1+s28+$0x0], $0xffff  }
0x347: {  	v11 =	vsub.f32 $1.000000000e+00, v8;
	[tilespmem:s9+$0xFFFFFEA0] =	vst v14;
	v14 =	vsub.f32 v20, v17;
	v2 =	vld.idx.msk [tilespmem:v2+s28+$0x0], $0xffff  }
0x348: {  	v15 =	vld [tilespmem:s13+$0xFFFFFF30];
	[tilespmem:s9+$0xFFFFFFA0] =	vst v6;
	v6 =	vsub.f32 $1.000000000e+00, v9  }
0x349: {  	v16 =	vld [tilespmem:s13+$0xFFFFFFB0];
	[tilespmem:s9+$0xA0] =	vst v11;
	v11 =	vmul.f32 v14, v18  }
0x34a: {  	v14 =	vld [tilespmem:s7+$0xFFFFFF30];
	[tilespmem:s9+$0x20] =	vst v8;
	v8 =	vmul.f32 v13, v12  }
0x34b: {  	v12 =	vld [tilespmem:s13+$0x30];
	v13 =	vsub.f32 $1.000000000e+00, v11;
	[tilespmem:s10+$0xFFFFFEE0] =	vst v6;
	v6 =	vmul.f32 v7, v10  }
0x34c: {  	v1 =	vmul.f32 v3, v1;
	v7 =	vld [tilespmem:s7+$0xFFFFFFB0];
	[tilespmem:s9+$0x130] =	vst v11;
	v10 =	vsub.f32 $1.000000000e+00, v8  }
0x34d: {  	v2 =	vmul.f32 v4, v2;
	v3 =	vld [tilespmem:s7+$0x30];
	[tilespmem:s9+$0x1B0] =	vst v13;
	v11 =	vsub.f32 $1.000000000e+00, v6  }
0x34e: {  	v4 =	vld [tilespmem:s13+$0xC0];
	[tilespmem:s10+$0xFFFFFFE0] =	vst v10;
	v10 =	vsub.f32 $1.000000000e+00, v1  }
0x34f: {  	[tilespmem:s10+$0xE0] =	vst v11;
	v11 =	vsub.f32 $1.000000000e+00, v2;
	v0 =	vld.idx.msk [tilespmem:v0+s28+$0x0], $0xffff  }
0x350: {  	v13 =	vld.idx.msk [tilespmem:v15+s26+$0x0], $0xffff;
	[tilespmem:s10+$0xFFFFFE60] =	vst v9  }
0x351: {  	v9 =	vld.idx.msk [tilespmem:v16+s26+$0x0], $0xffff;
	[tilespmem:s10+$0xFFFFFF60] =	vst v8  }
0x352: {  	v8 =	vld.idx.msk [tilespmem:v15+s28+$0x0], $0xffff;
	[tilespmem:s10+$0x60] =	vst v6  }
0x353: {  	v6 =	vld.idx.msk [tilespmem:v12+s26+$0x0], $0xffff;
	[tilespmem:s17+$0xFFFFFEF0] =	vst v10  }
0x354: {  	v10 =	vld.idx.msk [tilespmem:v16+s28+$0x0], $0xffff;
	[tilespmem:s17+$0xFFFFFFF0] =	vst v11  }
0x355: {  	v0 =	vmul.f32 v5, v0;
	v11 =	vld.idx.msk [tilespmem:v12+s28+$0x0], $0xffff;
	[tilespmem:s17+$0xFFFFFE70] =	vst v1  }
0x356: {  	v1 =	vsub.f32 v14, v13;
	v5 =	vld.idx.msk [tilespmem:v4+s26+$0x0], $0xffff;
	[tilespmem:s17+$0xFFFFFF70] =	vst v2  }
0x357: {  	v2 =	vsub.f32 v7, v9;
	v7 =	vld [tilespmem:s7+$0xC0];
	[tilespmem:s17+$0x70] =	vst v0;
	v0 =	vsub.f32 $1.000000000e+00, v0  }
0x358: {  	v8 =	vmul.f32 v1, v8;
	v4 =	vld.idx.msk [tilespmem:v4+s28+$0x0], $0xffff  }
0x359: {  	v3 =	vsub.f32 v3, v6;
	v1 =	vld [tilespmem:s18+$0xFFFFFF70];
	[tilespmem:s17+$0xF0] =	vst v0;
	s17 =	smov.u32 s10;
	s10 =	smov.u32 s9  }
0x35a: {  	v6 =	vsub.f32 $1.000000000e+00, v8;
	[tilespmem:s9+$0xFFFFFE30] =	vst v8;
	v8 =	vmul.f32 v2, v10;
	v2 =	vld [tilespmem:s18+$0xFFFFFFF0]  }
0x35b: {  	v3 =	vmul.f32 v3, v11;
	v0 =	vld [tilespmem:s18+$0x70];
	s18 =	smov.u32 s13  }
0x35c: {  	[tilespmem:s9+$0xFFFFFEB0] =	vst v6;
	v6 =	vsub.f32 $1.000000000e+00, v8;
	v5 =	vsub.f32 v7, v5;
	v7 =	vld [tilespmem:s11+$0xFFFFFF70]  }
0x35d: {  	v9 =	vld [tilespmem:s13+$0xFFFFFF40];
	[tilespmem:s9+$0xFFFFFF30] =	vst v8;
	v8 =	vsub.f32 $1.000000000e+00, v3  }
0x35e: {  	v10 =	vld [tilespmem:s7+$0xFFFFFF40];
	[tilespmem:s9+$0xFFFFFFB0] =	vst v6;
	v4 =	vmul.f32 v5, v4  }
0x35f: {  	v5 =	vld [tilespmem:s13+$0xFFFFFFC0];
	[tilespmem:s9+$0xB0] =	vst v8  }
0x360: {  	v6 =	vld [tilespmem:s7+$0xFFFFFFC0];
	[tilespmem:s9+$0x30] =	vst v3;
	v3 =	vsub.f32 $1.000000000e+00, v4  }
0x361: {  	v8 =	vld [tilespmem:s13+$0x40];
	[tilespmem:s9+$0x140] =	vst v4  }
0x362: {  	v4 =	vld [tilespmem:s7+$0x40];
	[tilespmem:s9+$0x1C0] =	vst v3  }
0x363: {  	v11 =	vld [tilespmem:s13+$0xD0]  }
0x364: {  	v3 =	vld.idx.msk [tilespmem:v1+s26+$0x0], $0xffff  }
0x365: {  	v12 =	vld.idx.msk [tilespmem:v9+s26+$0x0], $0xffff  }
0x366: {  	v9 =	vld.idx.msk [tilespmem:v9+s28+$0x0], $0xffff  }
0x367: {  	v13 =	vld.idx.msk [tilespmem:v5+s26+$0x0], $0xffff  }
0x368: {  	v5 =	vld.idx.msk [tilespmem:v5+s28+$0x0], $0xffff  }
0x369: {  	v14 =	vld.idx.msk [tilespmem:v8+s26+$0x0], $0xffff  }
0x36a: {  	v3 =	vsub.f32 v7, v3;
	v8 =	vld.idx.msk [tilespmem:v8+s28+$0x0], $0xffff  }
0x36b: {  	v7 =	vsub.f32 v10, v12;
	v10 =	vld.idx.msk [tilespmem:v11+s26+$0x0], $0xffff  }
0x36c: {  	v12 =	vld [tilespmem:s7+$0xD0]  }
0x36d: {  	v7 =	vmul.f32 v7, v9;
	v6 =	vsub.f32 v6, v13;
	v9 =	vld.idx.msk [tilespmem:v11+s28+$0x0], $0xffff  }
0x36e: {  	v13 =	vld.idx.msk [tilespmem:v2+s26+$0x0], $0xffff  }
0x36f: {  	v11 =	vmul.f32 v6, v5;
	v4 =	vsub.f32 v4, v14;
	[tilespmem:s9+$0xFFFFFE40] =	vst v7;
	v7 =	vsub.f32 $1.000000000e+00, v7;
	v5 =	vld.idx.msk [tilespmem:v0+s26+$0x0], $0xffff  }
0x370: {  	v14 =	vld [tilespmem:s11+$0xFFFFFFF0]  }
.Ltmp3:
0x371: {  	v15 =	vsub.f32 $1.000000000e+00, v11;
	v4 =	vmul.f32 v4, v8;
	[tilespmem:s9+$0xFFFFFEC0] =	vst v7;
	v8 =	vsub.f32 v12, v10;
	v6 =	vld [tilespmem:s11+$0x70];
	s11 =	smov.u32 s7;
	(pc) =	sbr.rel @p0 .LBB2_5-.Ltmp3, $4  }
0x372: {  	v7 =	vld [tilespmem:s13+$0xFFFFFF50];
	[tilespmem:s9+$0xFFFFFF40] =	vst v11  }
0x373: {  	v12 =	vsub.f32 $1.000000000e+00, v4;
	v10 =	vld [tilespmem:s7+$0xFFFFFF50];
	[tilespmem:s9+$0xFFFFFFC0] =	vst v15;
	v11 =	vmul.f32 v8, v9  }
0x374: {  	v9 =	vld [tilespmem:s13+$0xFFFFFFD0];
	[tilespmem:s9+$0x40] =	vst v4  }
0x375: {  	s13 =	sadd.s32 $0x200, s13;
	v8 =	vld [tilespmem:s7+$0xFFFFFFD0];
	[tilespmem:s9+$0xC0] =	vst v12;
	v12 =	vsub.f32 $1.000000000e+00, v11;
	v4 =	vsub.f32 v14, v13  }
0x376: {  	_ =	sdelay $0x1  }
0x377: {  	v63 =	vld [tilespmem:s18+$0x50];
	_ =	sdelay $0x2  }
0x378: {  	v15 =	vld [tilespmem:s11+$0x50]  }
0x379: {  	v13 =	vld.idx.msk [tilespmem:v7+s26+$0x0], $0xffff  }
0x37a: {  	v14 =	vld.idx.msk [tilespmem:v9+s26+$0x0], $0xffff  }
0x37b: {  	v18 =	vld.idx.msk [tilespmem:v7+s28+$0x0], $0xffff  }
0x37c: {  	[tilespmem:s9+$0x150] =	vst v11;
	v19 =	vld.idx.msk [tilespmem:v9+s28+$0x0], $0xffff  }
0x37d: {  	[tilespmem:s9+$0x1D0] =	vst v12;
	v20 =	vld.idx.msk [tilespmem:v63+s26+$0x0], $0xffff  }
0x37e: {  	v12 =	vld [tilespmem:s18+$0xE0];
	v10 =	vsub.f32 v10, v13  }
0x37f: {  	v8 =	vsub.f32 v8, v14;
	v21 =	vld.idx.msk [tilespmem:v63+s28+$0x0], $0xffff  }
0x380: {  	v7 =	vmul.f32 v10, v18  }
0x381: {  	v8 =	vmul.f32 v8, v19  }
0x382: {  	[tilespmem:s10+$0xFFFFFE50] =	vst v7;
	v7 =	vsub.f32 $1.000000000e+00, v7;
	v23 =	vsub.f32 v15, v20  }
0x383: {  	[tilespmem:s10+$0xFFFFFF50] =	vst v8  }
0x384: {  	v26 =	vld [tilespmem:s11+$0xE0];
	v8 =	vsub.f32 $1.000000000e+00, v8;
	[tilespmem:s10+$0xFFFFFED0] =	vst v7;
	v24 =	vmul.f32 v23, v21  }
0x385: {  	v7 =	vld [tilespmem:s18+$0xFFFFFF60]  }
0x386: {  	v22 =	vld.idx.msk [tilespmem:v12+s26+$0x0], $0xffff;
	[tilespmem:s10+$0xFFFFFFD0] =	vst v8;
	v27 =	vsub.f32 $1.000000000e+00, v24  }
0x387: {  	v25 =	vld [tilespmem:s18+$0xFFFFFFE0];
	[tilespmem:s10+$0x50] =	vst v24  }
0x388: {  	v12 =	vld.idx.msk [tilespmem:v12+s28+$0x0], $0xffff;
	[tilespmem:s10+$0xD0] =	vst v27  }
0x389: {  	v29 =	vld [tilespmem:s18+$0x60]  }
0x38a: {  	v32 =	vld [tilespmem:s11+$0xFFFFFF60]  }
0x38b: {  	v28 =	vsub.f32 v26, v22;
	v34 =	vld [tilespmem:s11+$0xFFFFFFE0]  }
0x38c: {  	v38 =	vld [tilespmem:s11+$0x60]  }
0x38d: {  	v8 =	vmul.f32 v28, v12;
	v30 =	vld.idx.msk [tilespmem:v7+s26+$0x0], $0xffff  }
0x38e: {  	v7 =	vld.idx.msk [tilespmem:v7+s28+$0x0], $0xffff  }
0x38f: {  	v33 =	vsub.f32 $1.000000000e+00, v8;
	v31 =	vld.idx.msk [tilespmem:v25+s26+$0x0], $0xffff  }
0x390: {  	[tilespmem:s10+$0x160] =	vst v8;
	v35 =	vld.idx.msk [tilespmem:v25+s28+$0x0], $0xffff  }
0x391: {  	[tilespmem:s10+$0x1E0] =	vst v33;
	v37 =	vld.idx.msk [tilespmem:v29+s26+$0x0], $0xffff  }
0x392: {  	v36 =	vld [tilespmem:s18+$0xF0];
	v11 =	vsub.f32 v32, v30  }
0x393: {  	v9 =	vld.idx.msk [tilespmem:v29+s28+$0x0], $0xffff  }
0x394: {  	v12 =	vsub.f32 v34, v31;
	v7 =	vmul.f32 v11, v7  }
0x395: {  	v1 =	vld.idx.msk [tilespmem:v1+s28+$0x0], $0xffff  }
0x396: {  	v2 =	vld.idx.msk [tilespmem:v2+s28+$0x0], $0xffff;
	v8 =	vmul.f32 v12, v35;
	v11 =	vsub.f32 $1.000000000e+00, v7;
	v13 =	vsub.f32 v38, v37  }
0x397: {  	v0 =	vld.idx.msk [tilespmem:v0+s28+$0x0], $0xffff;
	[tilespmem:s10+$0xFFFFFE60] =	vst v7  }
0x398: {  	v40 =	vld [tilespmem:s11+$0xF0];
	v12 =	vsub.f32 $1.000000000e+00, v8;
	[tilespmem:s10+$0xFFFFFEE0] =	vst v11;
	v9 =	vmul.f32 v13, v9  }
0x399: {  	[tilespmem:s10+$0xFFFFFF60] =	vst v8;
	v7 =	vld [tilespmem:s18+$0xFFFFFF70]  }
0x39a: {  	v39 =	vld.idx.msk [tilespmem:v36+s26+$0x0], $0xffff;
	[tilespmem:s10+$0xFFFFFFE0] =	vst v12;
	v41 =	vsub.f32 $1.000000000e+00, v9  }
0x39b: {  	v42 =	vld [tilespmem:s18+$0xFFFFFFF0];
	[tilespmem:s10+$0x60] =	vst v9  }
0x39c: {  	v10 =	vld.idx.msk [tilespmem:v36+s28+$0x0], $0xffff;
	[tilespmem:s10+$0xE0] =	vst v41  }
0x39d: {  	v8 =	vld [tilespmem:s18+$0x70]  }
0x39e: {  	v44 =	vld [tilespmem:s11+$0xFFFFFF70]  }
0x39f: {  	v47 =	vld [tilespmem:s11+$0xFFFFFFF0]  }
0x3a0: {  	v55 =	vld [tilespmem:s11+$0x70]  }
0x3a1: {  	v5 =	vsub.f32 v6, v5;
	v1 =	vmul.f32 v3, v1;
	v45 =	vld.idx.msk [tilespmem:v7+s26+$0x0], $0xffff  }
0x3a2: {  	v2 =	vmul.f32 v4, v2;
	v49 =	vld.idx.msk [tilespmem:v7+s28+$0x0], $0xffff  }
0x3a3: {  	v0 =	vmul.f32 v5, v0;
	[tilespmem:s17+$0xFFFFFE70] =	vst v1;
	v46 =	vld.idx.msk [tilespmem:v42+s26+$0x0], $0xffff  }
0x3a4: {  	v50 =	vsub.f32 $1.000000000e+00, v1;
	[tilespmem:s17+$0xFFFFFF70] =	vst v2;
	v43 =	vsub.f32 v40, v39;
	v51 =	vld.idx.msk [tilespmem:v42+s28+$0x0], $0xffff  }
0x3a5: {  	v52 =	vsub.f32 $1.000000000e+00, v2;
	[tilespmem:s17+$0x70] =	vst v0;
	v53 =	vld.idx.msk [tilespmem:v8+s26+$0x0], $0xffff  }
0x3a6: {  	v58 =	vsub.f32 $1.000000000e+00, v0;
	[tilespmem:s17+$0xFFFFFEF0] =	vst v50;
	v9 =	vmul.f32 v43, v10;
	v54 =	vsub.f32 v44, v45  }
0x3a7: {  	[tilespmem:s17+$0xFFFFFFF0] =	vst v52;
	v57 =	vld.idx.msk [tilespmem:v8+s28+$0x0], $0xffff  }
0x3a8: {  	[tilespmem:s17+$0xF0] =	vst v58;
	v48 =	vsub.f32 $1.000000000e+00, v9;
	v3 =	vsub.f32 v47, v46;
	v56 =	vmul.f32 v54, v49  }
0x3a9: {  	[tilespmem:s10+$0x170] =	vst v9  }
0x3aa: {  	[tilespmem:s10+$0x1F0] =	vst v48;
	v3 =	vmul.f32 v3, v51;
	v59 =	vsub.f32 $1.000000000e+00, v56;
	v60 =	vsub.f32 v55, v53  }
0x3ab: {  	[tilespmem:s10+$0xFFFFFE70] =	vst v56  }
0x3ac: {  	v61 =	vsub.f32 $1.000000000e+00, v3;
	[tilespmem:s10+$0xFFFFFEF0] =	vst v59;
	v62 =	vmul.f32 v60, v57  }
.Ltmp4:
0x3ad: {  	[tilespmem:s10+$0xFFFFFF70] =	vst v3;
	(pc) =	sbr.rel @p1 .LBB2_8-.Ltmp4, $4  }
0x3ae: {  	[tilespmem:s10+$0xFFFFFFF0] =	vst v61;
	v63 =	vsub.f32 $1.000000000e+00, v62  }
0x3af: {  	s7 =	sadd.s32 s16, s4;
	[tilespmem:s10+$0x70] =	vst v62  }
0x3b0: {  	s7 =	sadd.s32 $0x800, s7;
	[tilespmem:s10+$0xF0] =	vst v63  }
0x3b1: {  	[hbm4b:s7+s6] =	stream.linear.scatter [tilespmem:s0], [sflag:$0x6], $0x4000, $0x38;
	[tilespmem:$0x10280] =	vst v63  }
0x3b2: {  	s7 =	sshrl.u32 s15, $0x3  }
.Ltmp5:
0x3b3: {  	s7 =	sadd.s32 $0xC00, s7;
	(pc) =	sbr.rel .LBB2_2-.Ltmp5, $4  }
0x3b4: {  	s9 =	sadd.s32 s1, s7  }
0x3b5: {  	[tilespmem:s19], [sflag:$0x2] =	stream.linear.gather [hbm4b:s9+s6], $0x2000, $0x38;
	[tilespmem:$0x10280] =	vst v63  }
0x3b6: {  	s3 =	sadd.s32 $0x1, s3;
	s7 =	sadd.s32 s2, s7  }
0x3b7: {  	[tilespmem:s20], [sflag:$0x4] =	stream.linear.gather [hbm4b:s7+s6], $0x2000, $0x38;
	[tilespmem:$0x10280] =	vst v63  }
.LBB2_9:
0x3b8: {  	_ =	sfence.sel $0x180000  }
0x3b9: {  	[bflag:$0x0] =	sbarrier.arrive $0xFFFF  }
0x3ba: {  	_ =	strace $0x90000047  }
0x3bb: {  	s0 =	stileid.u32;
	[bflag:$0x2] =	sbarrier.arrive $0xFFFF  }
0x3bc: {  	p0 =	sne.s32 s0, $0x0;
	s0 =	rddreg [dreg:$0x5]  }
0x3bd: {  	s0 =	sadd.s32 @!p0 $0x100000, s0  }
0x3be: {  	[sflag:s0] =	ssyncadd.tile.s32 @!p0 $0x1;
	_ =	shalt  }
.Lfunc_end2:
_tile_overlayer_lowered:
.L_overlay_start_2:
0x3bf: {  	(tag) =	ssettag $0x2  }
0x3c0: {  	s0 =	rddreg [dreg:$0x0];
	s2 =	stileid.u32  }
0x3c1: {  	s1 =	rddreg [dreg:$0x1];
	p0 =	sne.s32 s2, $0x0  }
0x3c2: {  	s3 =	rddreg [dreg:$0x2];
	[bflag:$0x3] =	sbarrier.arrive $0xFFFF;
	s2 =	simm.s32 @!p0 $0x1C08  }
0x3c3: {  	[timem:s3], [sflag:s2] =	dma.local @!p0 [hbm:s0], s1  }
0x3c4: {  	s0 =	simm.s32 @!p0 $0x8  }
0x3c5: {  	_ =	swait.ge @!p0 [sflag:s0], s1  }
0x3c6: {  	s1 =	ssub.s32 @!p0 $0x0, s1;
	[sflag:s0] =	ssyncset.done @!p0 $0x0  }
0x3c7: {  	[sflag:s0] =	ssyncadd.s32 @!p0 s1  }
0x3c8: {  	[bflag:$0x3] =	sbarrier.arrive $0xFFFF  }
0x3c9: {  	_ =	shalt  }

</sc_bundles>
